<compile_context>
chip_gen: v7x
topology: tpu7x:2x2x1
jax: 0.10.2.dev20260603
libtpu: 0.0.44.dev20260713+nightly
codegen_flags: <defaults>
</compile_context>

<pallas_src>
import functools
import numpy as np
import jax
import jax.numpy as jnp
from jax.experimental import pallas as pl
from jax.experimental.pallas import tpu as pltpu



def _fps_body(npoint, xs_ref, ys_ref, zs_ref, idx_ref, cx_ref, cy_ref, cz_ref,
              dist_ref, far_ref):
    B, N = xs_ref.shape
    xs = xs_ref[...]
    ys = ys_ref[...]
    zs = zs_ref[...]
    iota_n = jax.lax.broadcasted_iota(jnp.int32, (B, N), 1)
    iota_s = jax.lax.broadcasted_iota(jnp.int32, (B, npoint), 1)

    dist_ref[...] = jnp.full((B, N), 1e10, jnp.float32)
    far_ref[...] = jnp.zeros((B, 128), jnp.int32)
    idx_ref[...] = jnp.zeros((B, npoint), jnp.int32)
    cx_ref[...] = jnp.zeros((B, npoint), jnp.float32)
    cy_ref[...] = jnp.zeros((B, npoint), jnp.float32)
    cz_ref[...] = jnp.zeros((B, npoint), jnp.float32)

    def body(i, carry):
        far = far_ref[:, :1]
        sel = iota_s == i
        idx_ref[...] = jnp.where(sel, jnp.broadcast_to(far, (B, npoint)),
                                 idx_ref[...])
        oh = iota_n == jnp.broadcast_to(far, (B, N))
        cx = jnp.sum(jnp.where(oh, xs, 0.0), axis=1, keepdims=True)
        cy = jnp.sum(jnp.where(oh, ys, 0.0), axis=1, keepdims=True)
        cz = jnp.sum(jnp.where(oh, zs, 0.0), axis=1, keepdims=True)
        cx_ref[...] = jnp.where(sel, jnp.broadcast_to(cx, (B, npoint)),
                                cx_ref[...])
        cy_ref[...] = jnp.where(sel, jnp.broadcast_to(cy, (B, npoint)),
                                cy_ref[...])
        cz_ref[...] = jnp.where(sel, jnp.broadcast_to(cz, (B, npoint)),
                                cz_ref[...])
        dx = xs - jnp.broadcast_to(cx, (B, N))
        dy = ys - jnp.broadcast_to(cy, (B, N))
        dz = zs - jnp.broadcast_to(cz, (B, N))
        d = (dx * dx + dy * dy) + dz * dz
        dist = jnp.minimum(dist_ref[...], d)
        dist_ref[...] = dist
        m = jnp.max(dist, axis=1, keepdims=True)
        cand = jnp.where(dist == jnp.broadcast_to(m, (B, N)), iota_n, N)
        far_new = jnp.min(cand, axis=1, keepdims=True).astype(jnp.int32)
        far_ref[...] = jnp.broadcast_to(far_new, (B, 128))
        return carry

    jax.lax.fori_loop(0, npoint, body, 0)


def _run_fps(xs, ys, zs, npoint):
    B, N = xs.shape
    out_shape = (jax.ShapeDtypeStruct((B, npoint), jnp.int32),
                 jax.ShapeDtypeStruct((B, npoint), jnp.float32),
                 jax.ShapeDtypeStruct((B, npoint), jnp.float32),
                 jax.ShapeDtypeStruct((B, npoint), jnp.float32))
    return pl.pallas_call(
        functools.partial(_fps_body, npoint),
        out_shape=out_shape,
        scratch_shapes=[pltpu.VMEM((B, N), jnp.float32),
                        pltpu.VMEM((B, 128), jnp.int32)],
    )(xs, ys, zs)



def _pad8(part):
    C = part.shape[1]
    ii = jax.lax.broadcasted_iota(jnp.int32, (8, C), 0)
    return jnp.where(ii == 0, jnp.broadcast_to(part, (8, C)), 0.0)


def _mm_body(x_ref, wt_ref, b_ref, y_ref, csp_ref):
    y = jnp.dot(x_ref[...], wt_ref[...],
                preferred_element_type=jnp.float32) + b_ref[...]
    y_ref[...] = y
    csp_ref[...] = _pad8(jnp.sum(y, axis=0, keepdims=True))


def _run_mm(x, wt, b, r_blk):
    R, Cin = x.shape
    Cout = wt.shape[1]
    grid = R // r_blk
    return pl.pallas_call(
        _mm_body,
        grid=(grid,),
        in_specs=[pl.BlockSpec((r_blk, Cin), lambda i: (i, 0)),
                  pl.BlockSpec((Cin, Cout), lambda i: (0, 0)),
                  pl.BlockSpec((1, Cout), lambda i: (0, 0))],
        out_specs=(pl.BlockSpec((r_blk, Cout), lambda i: (i, 0)),
                   pl.BlockSpec((8, Cout), lambda i: (i, 0))),
        out_shape=(jax.ShapeDtypeStruct((R, Cout), jnp.float32),
                   jax.ShapeDtypeStruct((grid * 8, Cout), jnp.float32)),
    )(x, wt, b.reshape(1, Cout))


def _ssq_body(rcount, y_ref, csp_ref, ssqp_ref):
    mean = jnp.sum(csp_ref[...], axis=0, keepdims=True) * jnp.float32(1.0 / rcount)
    d = y_ref[...] - mean
    ssqp_ref[...] = _pad8(jnp.sum(d * d, axis=0, keepdims=True))


def _run_ssq(y, csp, r_blk, rcount):
    R, C = y.shape
    grid = R // r_blk
    nb = csp.shape[0]
    return pl.pallas_call(
        functools.partial(_ssq_body, rcount),
        grid=(grid,),
        in_specs=[pl.BlockSpec((r_blk, C), lambda i: (i, 0)),
                  pl.BlockSpec((nb, C), lambda i: (0, 0))],
        out_specs=pl.BlockSpec((8, C), lambda i: (i, 0)),
        out_shape=jax.ShapeDtypeStruct((grid * 8, C), jnp.float32),
    )(y, csp)


def _bn_relu(y, csp_ref, ssqp_ref, g_ref, be_ref, rcount):
    rinv = jnp.float32(1.0 / rcount)
    mean = jnp.sum(csp_ref[...], axis=0, keepdims=True) * rinv
    var = jnp.sum(ssqp_ref[...], axis=0, keepdims=True) * rinv
    t = (y - mean) / jnp.sqrt(var + 1e-5)
    return jnp.maximum(t * g_ref[...] + be_ref[...], 0.0)


def _bn_mm_body(rcount, y_ref, csp_ref, ssqp_ref, g_ref, be_ref, wt_ref,
                b2_ref, y2_ref, cs2p_ref):
    z = _bn_relu(y_ref[...], csp_ref, ssqp_ref, g_ref, be_ref, rcount)
    y2 = jnp.dot(z, wt_ref[...],
                 preferred_element_type=jnp.float32) + b2_ref[...]
    y2_ref[...] = y2
    cs2p_ref[...] = _pad8(jnp.sum(y2, axis=0, keepdims=True))


def _run_bn_mm(y, csp, ssqp, gamma, beta, wt, b2, r_blk, rcount):
    R, Cin = y.shape
    Cout = wt.shape[1]
    grid = R // r_blk
    nb = csp.shape[0]
    return pl.pallas_call(
        functools.partial(_bn_mm_body, rcount),
        grid=(grid,),
        in_specs=[pl.BlockSpec((r_blk, Cin), lambda i: (i, 0)),
                  pl.BlockSpec((nb, Cin), lambda i: (0, 0)),
                  pl.BlockSpec((nb, Cin), lambda i: (0, 0)),
                  pl.BlockSpec((1, Cin), lambda i: (0, 0)),
                  pl.BlockSpec((1, Cin), lambda i: (0, 0)),
                  pl.BlockSpec((Cin, Cout), lambda i: (0, 0)),
                  pl.BlockSpec((1, Cout), lambda i: (0, 0))],
        out_specs=(pl.BlockSpec((r_blk, Cout), lambda i: (i, 0)),
                   pl.BlockSpec((8, Cout), lambda i: (i, 0))),
        out_shape=(jax.ShapeDtypeStruct((R, Cout), jnp.float32),
                   jax.ShapeDtypeStruct((grid * 8, Cout), jnp.float32)),
    )(y, csp, ssqp, gamma.reshape(1, Cin), beta.reshape(1, Cin), wt,
      b2.reshape(1, Cout))


def _bn_pool_body(rcount, K, y_ref, csp_ref, ssqp_ref, g_ref, be_ref, out_ref):
    z = _bn_relu(y_ref[...], csp_ref, ssqp_ref, g_ref, be_ref, rcount)
    rb, C = z.shape
    out_ref[...] = jnp.max(z.reshape(rb // K, K, C), axis=1)


def _run_bn_pool(y, csp, ssqp, gamma, beta, K, r_blk, rcount):
    R, C = y.shape
    nb = csp.shape[0]
    return pl.pallas_call(
        functools.partial(_bn_pool_body, rcount, K),
        grid=(R // r_blk,),
        in_specs=[pl.BlockSpec((r_blk, C), lambda i: (i, 0)),
                  pl.BlockSpec((nb, C), lambda i: (0, 0)),
                  pl.BlockSpec((nb, C), lambda i: (0, 0)),
                  pl.BlockSpec((1, C), lambda i: (0, 0)),
                  pl.BlockSpec((1, C), lambda i: (0, 0))],
        out_specs=pl.BlockSpec((r_blk // K, C), lambda i: (i, 0)),
        out_shape=jax.ShapeDtypeStruct((R // K, C), jnp.float32),
    )(y, csp, ssqp, gamma.reshape(1, C), beta.reshape(1, C))


def _mlp_level(x, layers, K, r_blk):
    R = x.shape[0]
    y, csp = _run_mm(x, layers[0]['W'].T, layers[0]['b'], r_blk)
    for li in range(len(layers)):
        layer = layers[li]
        ssqp = _run_ssq(y, csp, r_blk, R)
        if li == len(layers) - 1:
            return _run_bn_pool(y, csp, ssqp, layer['gamma'], layer['beta'],
                                K, r_blk, R)
        nxt = layers[li + 1]
        y, csp = _run_bn_mm(y, csp, ssqp, layer['gamma'], layer['beta'],
                            nxt['W'].T, nxt['b'], r_blk, R)



def _ball_group_xla(radius, nsample, xyz, new_xyz, feats):
    sqrdists = -2.0 * jnp.einsum('bsc,bnc->bsn', new_xyz, xyz)
    sqrdists = sqrdists + jnp.sum(new_xyz ** 2, axis=-1)[:, :, None]
    sqrdists = sqrdists + jnp.sum(xyz ** 2, axis=-1)[:, None, :]
    N = xyz.shape[1]
    gi = jnp.broadcast_to(jnp.arange(N, dtype=jnp.int32)[None, None, :],
                          sqrdists.shape)
    gi = jnp.where(sqrdists > radius ** 2, N, gi)
    gi = -jax.lax.top_k(-gi, nsample)[0]
    gf = jnp.broadcast_to(gi[:, :, 0:1], gi.shape)
    gi = jnp.where(gi == N, gf, gi)
    gxyz = jax.vmap(lambda p, i: p[i])(xyz, gi)
    gxyz = gxyz - new_xyz[:, :, None, :]
    gfeat = jax.vmap(lambda p, i: p[i])(feats, gi)
    return jnp.concatenate([gxyz, gfeat], axis=-1)



def kernel(xyz, params):
    B, N, _ = xyz.shape
    coords = xyz[:, :, :3]
    norm = xyz[:, :, 3:6]

    _, cx1, cy1, cz1 = _run_fps(coords[:, :, 0], coords[:, :, 1],
                                coords[:, :, 2], 512)
    new_xyz1 = jnp.stack([cx1, cy1, cz1], axis=-1)
    g1 = _ball_group_xla(0.2, 32, coords, new_xyz1, norm)
    x1 = g1.reshape(B * 512 * 32, 6)
    l1 = _mlp_level(x1, params['sa1'], 32, 2048)
    l1_points = l1.reshape(B, 512, 128)

    _, cx2, cy2, cz2 = _run_fps(cx1, cy1, cz1, 128)
    new_xyz2 = jnp.stack([cx2, cy2, cz2], axis=-1)
    g2 = _ball_group_xla(0.4, 64, new_xyz1, new_xyz2, l1_points)
    x2 = g2.reshape(B * 128 * 64, 131)
    l2 = _mlp_level(x2, params['sa2'], 64, 2048)

    l2_points = l2.reshape(B, 128, 256)
    x3 = jnp.concatenate([new_xyz2, l2_points], axis=-1).reshape(B * 128, 259)
    l3 = _mlp_level(x3, params['sa3'], 128, 2048)
    return l3.reshape(B, 1024)

# --- scband reference (transcript-rebuilt; emitter-appended) ---
"""Pipeline reference for scband-point-net2-encoder-26422638805440 (READ-ONLY COPY).

The authoritative reference and input builder live on the scoring server;
editing this copy changes nothing except your own understanding.
"""

import jax, jax.numpy as jnp
import numpy as np

SPACE_DIMS = 3
FEATURE_DIMS = 3

def index_points(points, idx):
    # points: [B, N, C], idx: [B, ...] int -> [B, ..., C]
    return jax.vmap(lambda p, i: p[i])(points, idx)

def square_distance(src, dst):
    dist = -2.0 * jnp.einsum('bsc,bnc->bsn', src, dst)
    dist = dist + jnp.sum(src ** 2, axis=-1)[:, :, None]
    dist = dist + jnp.sum(dst ** 2, axis=-1)[:, None, :]
    return dist

def farthest_point_sample(xyz, npoint):
    xyz = jax.lax.stop_gradient(xyz)  # int index output; nondifferentiable
    B, N, _ = xyz.shape
    def body(i, state):
        centroids, distance, farthest = state
        centroids = centroids.at[:, i].set(farthest)
        centroid = index_points(xyz, farthest[:, None])  # [B,1,3]
        dist = jnp.sum((xyz - centroid) ** 2, axis=-1)
        distance = jnp.minimum(distance, dist)
        farthest = jnp.argmax(distance, axis=-1).astype(jnp.int32)
        return (centroids, distance, farthest)
    init = (jnp.zeros((B, npoint), jnp.int32),
            jnp.full((B, N), 1e10, jnp.float32),
            jnp.zeros((B,), jnp.int32))
    centroids, _, _ = jax.lax.fori_loop(0, npoint, body, init)
    return centroids

def query_ball_point(radius, nsample, xyz, new_xyz):
    xyz = jax.lax.stop_gradient(xyz)
    new_xyz = jax.lax.stop_gradient(new_xyz)
    B, N, _ = xyz.shape
    S = new_xyz.shape[1]
    sqrdists = square_distance(new_xyz, xyz)  # [B,S,N]
    group_idx = jnp.broadcast_to(jnp.arange(N, dtype=jnp.int32)[None, None, :], (B, S, N))
    group_idx = jnp.where(sqrdists > radius ** 2, N, group_idx)
    group_idx = jnp.sort(group_idx, axis=-1)[:, :, :nsample]
    group_first = jnp.broadcast_to(group_idx[:, :, 0:1], group_idx.shape)
    mask = group_idx == N
    group_idx = jnp.where(mask, group_first, group_idx)
    return group_idx

def sample_and_group(npoint, radius, nsample, xyz, points):
    fps_idx = farthest_point_sample(xyz, npoint)
    new_xyz = index_points(xyz, fps_idx)  # [B,S,3]
    idx = query_ball_point(radius, nsample, xyz, new_xyz)
    grouped_xyz = index_points(xyz, idx)  # [B,S,K,3]
    grouped_xyz_norm = grouped_xyz - new_xyz[:, :, None, :]
    if points is not None:
        grouped_points = index_points(points, idx)
        new_points = jnp.concatenate([grouped_xyz_norm, grouped_points], axis=-1)
    else:
        new_points = grouped_xyz_norm
    return new_xyz, new_points

def sample_and_group_all(xyz, points):
    B = xyz.shape[0]
    new_xyz = jnp.zeros((B, 1, 3), jnp.float32)
    grouped_xyz = xyz[:, None, :, :]
    if points is not None:
        new_points = jnp.concatenate([grouped_xyz, points[:, None, :, :]], axis=-1)
    else:
        new_points = grouped_xyz
    return new_xyz, new_points

def sa_forward(layers, npoint, radius, nsample, group_all, xyz, points):
    if group_all:
        new_xyz, new_points = sample_and_group_all(xyz, points)
    else:
        new_xyz, new_points = sample_and_group(npoint, radius, nsample, xyz, points)
    # x: [B, S, K, C] channel-last (torch uses [B, C, K, S]; math identical)
    x = new_points
    for layer in layers:
        x = jnp.einsum('bskc,oc->bsko', x, layer['W']) + layer['b']
        # BatchNorm2d in training mode: stats over (B, K, S) per channel
        mean = jnp.mean(x, axis=(0, 1, 2), keepdims=True)
        var = jnp.var(x, axis=(0, 1, 2), keepdims=True)
        x = (x - mean) / jnp.sqrt(var + 1e-5)
        x = x * layer['gamma'] + layer['beta']
        x = jax.nn.relu(x)
    new_points_out = jnp.max(x, axis=2)  # max over nsample
    return new_xyz, new_points_out

def pointnet2_forward(params, xyz_in):
    coords = xyz_in[:, :, :SPACE_DIMS]
    norm = xyz_in[:, :, SPACE_DIMS:SPACE_DIMS + FEATURE_DIMS]
    l1_xyz, l1_points = sa_forward(params['sa1'], 512, 0.2, 32, False, coords, norm)
    l2_xyz, l2_points = sa_forward(params['sa2'], 128, 0.4, 64, False, l1_xyz, l1_points)
    l3_xyz, l3_points = sa_forward(params['sa3'], None, None, None, True, l2_xyz, l2_points)
    return l3_points.reshape(xyz_in.shape[0], 1024)

def _make_sa_params(key, in_c, mlp):
    layers = []
    for out_c in mlp:
        key, k = jax.random.split(key)
        W = jax.random.normal(k, (out_c, in_c), jnp.float32) * (1.0 / np.sqrt(in_c))
        layers.append({'W': W,
                       'b': jnp.zeros((out_c,), jnp.float32),
                       'gamma': jnp.ones((out_c,), jnp.float32),
                       'beta': jnp.zeros((out_c,), jnp.float32)})
        in_c = out_c
    return layers

def setup_inputs(seed: int = 0):
    key = jax.random.key(seed)
    k_x, k1, k2, k3 = jax.random.split(key, 4)
    xyz = jax.random.uniform(k_x, (16, 4096, 6), dtype=jnp.float32)
    params = {'sa1': _make_sa_params(k1, SPACE_DIMS + FEATURE_DIMS, [64, 64, 128]),
              'sa2': _make_sa_params(k2, 128 + 3, [128, 128, 256]),
              'sa3': _make_sa_params(k3, 256 + 3, [256, 512, 1024])}
    return {'xyz': xyz, 'params': params}

def reference(xyz, params):
    return pointnet2_forward(params, xyz)

if __name__ == "__main__":
    import jax
    _d = setup_inputs()
    print(jax.jit(kernel)(*tuple(_d.values())))

</pallas_src>

<mosaic_0001>
module attributes {stable_mosaic.version = 14 : i64} {
  func.func @_fps_body(%arg0: memref<16x4096xf32, #tpu.memory_space<vmem>>, %arg1: memref<16x4096xf32, #tpu.memory_space<vmem>>, %arg2: memref<16x4096xf32, #tpu.memory_space<vmem>>, %arg3: memref<16x512xi32, #tpu.memory_space<vmem>>, %arg4: memref<16x512xf32, #tpu.memory_space<vmem>>, %arg5: memref<16x512xf32, #tpu.memory_space<vmem>>, %arg6: memref<16x512xf32, #tpu.memory_space<vmem>>, %arg7: memref<16x4096xf32, #tpu.memory_space<vmem>>, %arg8: memref<16x128xi32, #tpu.memory_space<vmem>>) attributes {dimension_semantics = [], scalar_prefetch = 0 : i64, scratch_operands = 2 : i64, tpu.core_type = #tpu.core_type<tc>} {
    %get3A = arith.constant 0 : index
    %get3A_0 = arith.constant 0 : index
    %get3A_1 = vector.load %arg0[%get3A, %get3A_0] : memref<16x4096xf32, #tpu.memory_space<vmem>>, vector<16x4096xf32>
    %get3A_2 = arith.constant 0 : index
    %get3A_3 = arith.constant 0 : index
    %get3A_4 = vector.load %arg1[%get3A_2, %get3A_3] : memref<16x4096xf32, #tpu.memory_space<vmem>>, vector<16x4096xf32>
    %get3A_5 = arith.constant 0 : index
    %get3A_6 = arith.constant 0 : index
    %get3A_7 = vector.load %arg2[%get3A_5, %get3A_6] : memref<16x4096xf32, #tpu.memory_space<vmem>>, vector<16x4096xf32>
    %iota3A = tpu.iota {dimensions = array<i32: 1>} : vector<16x4096xi32>
    %iota3A_8 = tpu.iota {dimensions = array<i32: 1>} : vector<16x512xi32>
    %broadcast_in_dim3A = arith.constant 1.000000e+10 : f32
    %broadcast_in_dim3A_9 = vector.broadcast %broadcast_in_dim3A : f32 to vector<16x4096xf32>
    %swap3A = arith.constant 0 : index
    %swap3A_10 = arith.constant 0 : index
    %swap3A_11 = vector.load %arg7[%swap3A, %swap3A_10] : memref<16x4096xf32, #tpu.memory_space<vmem>>, vector<16x4096xf32>
    tpu.vector_store %arg7[%swap3A, %swap3A_10], %broadcast_in_dim3A_9 {strides = array<i32>} : memref<16x4096xf32, #tpu.memory_space<vmem>>, vector<16x4096xf32>,
    %broadcast_in_dim3A_12 = arith.constant 0 : i32
    %broadcast_in_dim3A_13 = vector.broadcast %broadcast_in_dim3A_12 : i32 to vector<16x128xi32>
    %swap3A_14 = arith.constant 0 : index
    %swap3A_15 = arith.constant 0 : index
    %swap3A_16 = vector.load %arg8[%swap3A_14, %swap3A_15] : memref<16x128xi32, #tpu.memory_space<vmem>>, vector<16x128xi32>
    tpu.vector_store %arg8[%swap3A_14, %swap3A_15], %broadcast_in_dim3A_13 {strides = array<i32>} : memref<16x128xi32, #tpu.memory_space<vmem>>, vector<16x128xi32>,
    %broadcast_in_dim3A_17 = arith.constant 0 : i32
    %broadcast_in_dim3A_18 = vector.broadcast %broadcast_in_dim3A_17 : i32 to vector<16x512xi32>
    %swap3A_19 = arith.constant 0 : index
    %swap3A_20 = arith.constant 0 : index
    %swap3A_21 = vector.load %arg3[%swap3A_19, %swap3A_20] : memref<16x512xi32, #tpu.memory_space<vmem>>, vector<16x512xi32>
    tpu.vector_store %arg3[%swap3A_19, %swap3A_20], %broadcast_in_dim3A_18 {strides = array<i32>} : memref<16x512xi32, #tpu.memory_space<vmem>>, vector<16x512xi32>,
    %broadcast_in_dim3A_22 = arith.constant 0.000000e+00 : f32
    %broadcast_in_dim3A_23 = vector.broadcast %broadcast_in_dim3A_22 : f32 to vector<16x512xf32>
    %swap3A_24 = arith.constant 0 : index
    %swap3A_25 = arith.constant 0 : index
    %swap3A_26 = vector.load %arg4[%swap3A_24, %swap3A_25] : memref<16x512xf32, #tpu.memory_space<vmem>>, vector<16x512xf32>
    tpu.vector_store %arg4[%swap3A_24, %swap3A_25], %broadcast_in_dim3A_23 {strides = array<i32>} : memref<16x512xf32, #tpu.memory_space<vmem>>, vector<16x512xf32>,
    %broadcast_in_dim3A_27 = arith.constant 0.000000e+00 : f32
    %broadcast_in_dim3A_28 = vector.broadcast %broadcast_in_dim3A_27 : f32 to vector<16x512xf32>
    %swap3A_29 = arith.constant 0 : index
    %swap3A_30 = arith.constant 0 : index
    %swap3A_31 = vector.load %arg5[%swap3A_29, %swap3A_30] : memref<16x512xf32, #tpu.memory_space<vmem>>, vector<16x512xf32>
    tpu.vector_store %arg5[%swap3A_29, %swap3A_30], %broadcast_in_dim3A_28 {strides = array<i32>} : memref<16x512xf32, #tpu.memory_space<vmem>>, vector<16x512xf32>,
    %broadcast_in_dim3A_32 = arith.constant 0.000000e+00 : f32
    %broadcast_in_dim3A_33 = vector.broadcast %broadcast_in_dim3A_32 : f32 to vector<16x512xf32>
    %swap3A_34 = arith.constant 0 : index
    %swap3A_35 = arith.constant 0 : index
    %swap3A_36 = vector.load %arg6[%swap3A_34, %swap3A_35] : memref<16x512xf32, #tpu.memory_space<vmem>>, vector<16x512xf32>
    tpu.vector_store %arg6[%swap3A_34, %swap3A_35], %broadcast_in_dim3A_33 {strides = array<i32>} : memref<16x512xf32, #tpu.memory_space<vmem>>, vector<16x512xf32>,
    %scan3A = arith.constant 0 : i32
    %scan3A_37 = arith.constant 512 : i32
    %scan3A_38 = arith.addi %scan3A, %scan3A_37 : i32
    %scan3A_39 = arith.constant 1 : i32
    scf.for %scan3A_41 = %scan3A to %scan3A_38 step %scan3A_39  : i32 {
      %get3A_42 = arith.constant 0 : index
      %get3A_43 = arith.constant 0 : index
      %get3A_44 = vector.load %arg8[%get3A_42, %get3A_43] : memref<16x128xi32, #tpu.memory_space<vmem>>, vector<16x1xi32>
      %eq3A = vector.broadcast %scan3A_41 : i32 to vector<16x512xi32>
      %eq3A_45 = arith.cmpi eq, %iota3A_8, %eq3A : vector<16x512xi32>
      %broadcast_in_dim3A_46 = vector.shape_cast %get3A_44 : vector<16x1xi32> to vector<16x1xi32>
      %broadcast_in_dim3A_47 = vector.broadcast %broadcast_in_dim3A_46 : vector<16x1xi32> to vector<16x512xi32>
      %get3A_48 = arith.constant 0 : index
      %get3A_49 = arith.constant 0 : index
      %get3A_50 = vector.load %arg3[%get3A_48, %get3A_49] : memref<16x512xi32, #tpu.memory_space<vmem>>, vector<16x512xi32>
      %select_n3A = arith.select %eq3A_45, %broadcast_in_dim3A_47, %get3A_50 : vector<16x512xi1>, vector<16x512xi32>
      %swap3A_51 = arith.constant 0 : index
      %swap3A_52 = arith.constant 0 : index
      %swap3A_53 = vector.load %arg3[%swap3A_51, %swap3A_52] : memref<16x512xi32, #tpu.memory_space<vmem>>, vector<16x512xi32>
      tpu.vector_store %arg3[%swap3A_51, %swap3A_52], %select_n3A {strides = array<i32>} : memref<16x512xi32, #tpu.memory_space<vmem>>, vector<16x512xi32>,
      %broadcast_in_dim3A_54 = vector.shape_cast %get3A_44 : vector<16x1xi32> to vector<16x1xi32>
      %broadcast_in_dim3A_55 = vector.broadcast %broadcast_in_dim3A_54 : vector<16x1xi32> to vector<16x4096xi32>
      %eq3A_56 = arith.cmpi eq, %iota3A, %broadcast_in_dim3A_55 : vector<16x4096xi32>
      %jit3A = arith.constant 0.000000e+00 : f32
      %broadcast_in_dim3A_57 = vector.broadcast %jit3A : f32 to vector<16x4096xf32>
      %select_n3A_58 = arith.select %eq3A_56, %get3A_1, %broadcast_in_dim3A_57 : vector<16x4096xi1>, vector<16x4096xf32>
      %reduce_sum3A = arith.constant dense<0.000000e+00> : vector<16xf32>
      %reduce_sum3A_59 = vector.multi_reduction <add>, %select_n3A_58, %reduce_sum3A [1] : vector<16x4096xf32> to vector<16xf32>
      %broadcast_in_dim3A_60 = vector.shape_cast %reduce_sum3A_59 : vector<16xf32> to vector<16x1xf32>
      %jit3A_61 = arith.constant 0.000000e+00 : f32
      %broadcast_in_dim3A_62 = vector.broadcast %jit3A_61 : f32 to vector<16x4096xf32>
      %select_n3A_63 = arith.select %eq3A_56, %get3A_4, %broadcast_in_dim3A_62 : vector<16x4096xi1>, vector<16x4096xf32>
      %reduce_sum3A_64 = arith.constant dense<0.000000e+00> : vector<16xf32>
      %reduce_sum3A_65 = vector.multi_reduction <add>, %select_n3A_63, %reduce_sum3A_64 [1] : vector<16x4096xf32> to vector<16xf32>
      %broadcast_in_dim3A_66 = vector.shape_cast %reduce_sum3A_65 : vector<16xf32> to vector<16x1xf32>
      %jit3A_67 = arith.constant 0.000000e+00 : f32
      %broadcast_in_dim3A_68 = vector.broadcast %jit3A_67 : f32 to vector<16x4096xf32>
      %select_n3A_69 = arith.select %eq3A_56, %get3A_7, %broadcast_in_dim3A_68 : vector<16x4096xi1>, vector<16x4096xf32>
      %reduce_sum3A_70 = arith.constant dense<0.000000e+00> : vector<16xf32>
      %reduce_sum3A_71 = vector.multi_reduction <add>, %select_n3A_69, %reduce_sum3A_70 [1] : vector<16x4096xf32> to vector<16xf32>
      %broadcast_in_dim3A_72 = vector.shape_cast %reduce_sum3A_71 : vector<16xf32> to vector<16x1xf32>
      %broadcast_in_dim3A_73 = vector.shape_cast %broadcast_in_dim3A_60 : vector<16x1xf32> to vector<16x1xf32>
      %broadcast_in_dim3A_74 = vector.broadcast %broadcast_in_dim3A_73 : vector<16x1xf32> to vector<16x512xf32>
      %get3A_75 = arith.constant 0 : index
      %get3A_76 = arith.constant 0 : index
      %get3A_77 = vector.load %arg4[%get3A_75, %get3A_76] : memref<16x512xf32, #tpu.memory_space<vmem>>, vector<16x512xf32>
      %select_n3A_78 = arith.select %eq3A_45, %broadcast_in_dim3A_74, %get3A_77 : vector<16x512xi1>, vector<16x512xf32>
      %swap3A_79 = arith.constant 0 : index
      %swap3A_80 = arith.constant 0 : index
      %swap3A_81 = vector.load %arg4[%swap3A_79, %swap3A_80] : memref<16x512xf32, #tpu.memory_space<vmem>>, vector<16x512xf32>
      tpu.vector_store %arg4[%swap3A_79, %swap3A_80], %select_n3A_78 {strides = array<i32>} : memref<16x512xf32, #tpu.memory_space<vmem>>, vector<16x512xf32>,
      %broadcast_in_dim3A_82 = vector.shape_cast %broadcast_in_dim3A_66 : vector<16x1xf32> to vector<16x1xf32>
      %broadcast_in_dim3A_83 = vector.broadcast %broadcast_in_dim3A_82 : vector<16x1xf32> to vector<16x512xf32>
      %get3A_84 = arith.constant 0 : index
      %get3A_85 = arith.constant 0 : index
      %get3A_86 = vector.load %arg5[%get3A_84, %get3A_85] : memref<16x512xf32, #tpu.memory_space<vmem>>, vector<16x512xf32>
      %select_n3A_87 = arith.select %eq3A_45, %broadcast_in_dim3A_83, %get3A_86 : vector<16x512xi1>, vector<16x512xf32>
      %swap3A_88 = arith.constant 0 : index
      %swap3A_89 = arith.constant 0 : index
      %swap3A_90 = vector.load %arg5[%swap3A_88, %swap3A_89] : memref<16x512xf32, #tpu.memory_space<vmem>>, vector<16x512xf32>
      tpu.vector_store %arg5[%swap3A_88, %swap3A_89], %select_n3A_87 {strides = array<i32>} : memref<16x512xf32, #tpu.memory_space<vmem>>, vector<16x512xf32>,
      %broadcast_in_dim3A_91 = vector.shape_cast %broadcast_in_dim3A_72 : vector<16x1xf32> to vector<16x1xf32>
      %broadcast_in_dim3A_92 = vector.broadcast %broadcast_in_dim3A_91 : vector<16x1xf32> to vector<16x512xf32>
      %get3A_93 = arith.constant 0 : index
      %get3A_94 = arith.constant 0 : index
      %get3A_95 = vector.load %arg6[%get3A_93, %get3A_94] : memref<16x512xf32, #tpu.memory_space<vmem>>, vector<16x512xf32>
      %select_n3A_96 = arith.select %eq3A_45, %broadcast_in_dim3A_92, %get3A_95 : vector<16x512xi1>, vector<16x512xf32>
      %swap3A_97 = arith.constant 0 : index
      %swap3A_98 = arith.constant 0 : index
      %swap3A_99 = vector.load %arg6[%swap3A_97, %swap3A_98] : memref<16x512xf32, #tpu.memory_space<vmem>>, vector<16x512xf32>
      tpu.vector_store %arg6[%swap3A_97, %swap3A_98], %select_n3A_96 {strides = array<i32>} : memref<16x512xf32, #tpu.memory_space<vmem>>, vector<16x512xf32>,
      %broadcast_in_dim3A_100 = vector.shape_cast %broadcast_in_dim3A_60 : vector<16x1xf32> to vector<16x1xf32>
      %broadcast_in_dim3A_101 = vector.broadcast %broadcast_in_dim3A_100 : vector<16x1xf32> to vector<16x4096xf32>
      %sub3A = arith.subf %get3A_1, %broadcast_in_dim3A_101 : vector<16x4096xf32>
      %broadcast_in_dim3A_102 = vector.shape_cast %broadcast_in_dim3A_66 : vector<16x1xf32> to vector<16x1xf32>
      %broadcast_in_dim3A_103 = vector.broadcast %broadcast_in_dim3A_102 : vector<16x1xf32> to vector<16x4096xf32>
      %sub3A_104 = arith.subf %get3A_4, %broadcast_in_dim3A_103 : vector<16x4096xf32>
      %broadcast_in_dim3A_105 = vector.shape_cast %broadcast_in_dim3A_72 : vector<16x1xf32> to vector<16x1xf32>
      %broadcast_in_dim3A_106 = vector.broadcast %broadcast_in_dim3A_105 : vector<16x1xf32> to vector<16x4096xf32>
      %sub3A_107 = arith.subf %get3A_7, %broadcast_in_dim3A_106 : vector<16x4096xf32>
      %mul3A = arith.mulf %sub3A, %sub3A : vector<16x4096xf32>
      %mul3A_108 = arith.mulf %sub3A_104, %sub3A_104 : vector<16x4096xf32>
      %add3A = arith.addf %mul3A, %mul3A_108 : vector<16x4096xf32>
      %mul3A_109 = arith.mulf %sub3A_107, %sub3A_107 : vector<16x4096xf32>
      %add3A_110 = arith.addf %add3A, %mul3A_109 : vector<16x4096xf32>
      %get3A_111 = arith.constant 0 : index
      %get3A_112 = arith.constant 0 : index
      %get3A_113 = vector.load %arg7[%get3A_111, %get3A_112] : memref<16x4096xf32, #tpu.memory_space<vmem>>, vector<16x4096xf32>
      %min3A = arith.minimumf %get3A_113, %add3A_110 : vector<16x4096xf32>
      %swap3A_114 = arith.constant 0 : index
      %swap3A_115 = arith.constant 0 : index
      %swap3A_116 = vector.load %arg7[%swap3A_114, %swap3A_115] : memref<16x4096xf32, #tpu.memory_space<vmem>>, vector<16x4096xf32>
      tpu.vector_store %arg7[%swap3A_114, %swap3A_115], %min3A {strides = array<i32>} : memref<16x4096xf32, #tpu.memory_space<vmem>>, vector<16x4096xf32>,
      %reduce_max3A = arith.constant dense<0xFF800000> : vector<16xf32>
      %reduce_max3A_117 = vector.multi_reduction <maximumf>, %min3A, %reduce_max3A [1] : vector<16x4096xf32> to vector<16xf32>
      %broadcast_in_dim3A_118 = vector.shape_cast %reduce_max3A_117 : vector<16xf32> to vector<16x1xf32>
      %broadcast_in_dim3A_119 = vector.shape_cast %broadcast_in_dim3A_118 : vector<16x1xf32> to vector<16x1xf32>
      %broadcast_in_dim3A_120 = vector.broadcast %broadcast_in_dim3A_119 : vector<16x1xf32> to vector<16x4096xf32>
      %eq3A_121 = arith.cmpf oeq, %min3A, %broadcast_in_dim3A_120 : vector<16x4096xf32>
      %jit3A_122 = arith.constant 4096 : i32
      %broadcast_in_dim3A_123 = vector.broadcast %jit3A_122 : i32 to vector<16x4096xi32>
      %select_n3A_124 = arith.select %eq3A_121, %iota3A, %broadcast_in_dim3A_123 : vector<16x4096xi1>, vector<16x4096xi32>
      %reduce_min3A = arith.constant dense<2147483647> : vector<16xi32>
      %reduce_min3A_125 = vector.multi_reduction <minsi>, %select_n3A_124, %reduce_min3A [1] : vector<16x4096xi32> to vector<16xi32>
      %broadcast_in_dim3A_126 = vector.shape_cast %reduce_min3A_125 : vector<16xi32> to vector<16x1xi32>
      %broadcast_in_dim3A_127 = vector.shape_cast %broadcast_in_dim3A_126 : vector<16x1xi32> to vector<16x1xi32>
      %broadcast_in_dim3A_128 = vector.broadcast %broadcast_in_dim3A_127 : vector<16x1xi32> to vector<16x128xi32>
      %swap3A_129 = arith.constant 0 : index
      %swap3A_130 = arith.constant 0 : index
      %swap3A_131 = vector.load %arg8[%swap3A_129, %swap3A_130] : memref<16x128xi32, #tpu.memory_space<vmem>>, vector<16x128xi32>
      tpu.vector_store %arg8[%swap3A_129, %swap3A_130], %broadcast_in_dim3A_128 {strides = array<i32>} : memref<16x128xi32, #tpu.memory_space<vmem>>, vector<16x128xi32>,
    }
    %scan3A_40 = arith.constant 512 : i32
    return
  }
}

module attributes {stable_mosaic.version = 14 : i64} {
  func.func @_fps_body(%arg0: memref<16x512xf32, #tpu.memory_space<vmem>>, %arg1: memref<16x512xf32, #tpu.memory_space<vmem>>, %arg2: memref<16x512xf32, #tpu.memory_space<vmem>>, %arg3: memref<16x128xi32, #tpu.memory_space<vmem>>, %arg4: memref<16x128xf32, #tpu.memory_space<vmem>>, %arg5: memref<16x128xf32, #tpu.memory_space<vmem>>, %arg6: memref<16x128xf32, #tpu.memory_space<vmem>>, %arg7: memref<16x512xf32, #tpu.memory_space<vmem>>, %arg8: memref<16x128xi32, #tpu.memory_space<vmem>>) attributes {dimension_semantics = [], scalar_prefetch = 0 : i64, scratch_operands = 2 : i64, tpu.core_type = #tpu.core_type<tc>} {
    %get3A = arith.constant 0 : index
    %get3A_0 = arith.constant 0 : index
    %get3A_1 = vector.load %arg0[%get3A, %get3A_0] : memref<16x512xf32, #tpu.memory_space<vmem>>, vector<16x512xf32>
    %get3A_2 = arith.constant 0 : index
    %get3A_3 = arith.constant 0 : index
    %get3A_4 = vector.load %arg1[%get3A_2, %get3A_3] : memref<16x512xf32, #tpu.memory_space<vmem>>, vector<16x512xf32>
    %get3A_5 = arith.constant 0 : index
    %get3A_6 = arith.constant 0 : index
    %get3A_7 = vector.load %arg2[%get3A_5, %get3A_6] : memref<16x512xf32, #tpu.memory_space<vmem>>, vector<16x512xf32>
    %iota3A = tpu.iota {dimensions = array<i32: 1>} : vector<16x512xi32>
    %iota3A_8 = tpu.iota {dimensions = array<i32: 1>} : vector<16x128xi32>
    %broadcast_in_dim3A = arith.constant 1.000000e+10 : f32
    %broadcast_in_dim3A_9 = vector.broadcast %broadcast_in_dim3A : f32 to vector<16x512xf32>
    %swap3A = arith.constant 0 : index
    %swap3A_10 = arith.constant 0 : index
    %swap3A_11 = vector.load %arg7[%swap3A, %swap3A_10] : memref<16x512xf32, #tpu.memory_space<vmem>>, vector<16x512xf32>
    tpu.vector_store %arg7[%swap3A, %swap3A_10], %broadcast_in_dim3A_9 {strides = array<i32>} : memref<16x512xf32, #tpu.memory_space<vmem>>, vector<16x512xf32>,
    %broadcast_in_dim3A_12 = arith.constant 0 : i32
    %broadcast_in_dim3A_13 = vector.broadcast %broadcast_in_dim3A_12 : i32 to vector<16x128xi32>
    %swap3A_14 = arith.constant 0 : index
    %swap3A_15 = arith.constant 0 : index
    %swap3A_16 = vector.load %arg8[%swap3A_14, %swap3A_15] : memref<16x128xi32, #tpu.memory_space<vmem>>, vector<16x128xi32>
    tpu.vector_store %arg8[%swap3A_14, %swap3A_15], %broadcast_in_dim3A_13 {strides = array<i32>} : memref<16x128xi32, #tpu.memory_space<vmem>>, vector<16x128xi32>,
    %broadcast_in_dim3A_17 = arith.constant 0 : i32
    %broadcast_in_dim3A_18 = vector.broadcast %broadcast_in_dim3A_17 : i32 to vector<16x128xi32>
    %swap3A_19 = arith.constant 0 : index
    %swap3A_20 = arith.constant 0 : index
    %swap3A_21 = vector.load %arg3[%swap3A_19, %swap3A_20] : memref<16x128xi32, #tpu.memory_space<vmem>>, vector<16x128xi32>
    tpu.vector_store %arg3[%swap3A_19, %swap3A_20], %broadcast_in_dim3A_18 {strides = array<i32>} : memref<16x128xi32, #tpu.memory_space<vmem>>, vector<16x128xi32>,
    %broadcast_in_dim3A_22 = arith.constant 0.000000e+00 : f32
    %broadcast_in_dim3A_23 = vector.broadcast %broadcast_in_dim3A_22 : f32 to vector<16x128xf32>
    %swap3A_24 = arith.constant 0 : index
    %swap3A_25 = arith.constant 0 : index
    %swap3A_26 = vector.load %arg4[%swap3A_24, %swap3A_25] : memref<16x128xf32, #tpu.memory_space<vmem>>, vector<16x128xf32>
    tpu.vector_store %arg4[%swap3A_24, %swap3A_25], %broadcast_in_dim3A_23 {strides = array<i32>} : memref<16x128xf32, #tpu.memory_space<vmem>>, vector<16x128xf32>,
    %broadcast_in_dim3A_27 = arith.constant 0.000000e+00 : f32
    %broadcast_in_dim3A_28 = vector.broadcast %broadcast_in_dim3A_27 : f32 to vector<16x128xf32>
    %swap3A_29 = arith.constant 0 : index
    %swap3A_30 = arith.constant 0 : index
    %swap3A_31 = vector.load %arg5[%swap3A_29, %swap3A_30] : memref<16x128xf32, #tpu.memory_space<vmem>>, vector<16x128xf32>
    tpu.vector_store %arg5[%swap3A_29, %swap3A_30], %broadcast_in_dim3A_28 {strides = array<i32>} : memref<16x128xf32, #tpu.memory_space<vmem>>, vector<16x128xf32>,
    %broadcast_in_dim3A_32 = arith.constant 0.000000e+00 : f32
    %broadcast_in_dim3A_33 = vector.broadcast %broadcast_in_dim3A_32 : f32 to vector<16x128xf32>
    %swap3A_34 = arith.constant 0 : index
    %swap3A_35 = arith.constant 0 : index
    %swap3A_36 = vector.load %arg6[%swap3A_34, %swap3A_35] : memref<16x128xf32, #tpu.memory_space<vmem>>, vector<16x128xf32>
    tpu.vector_store %arg6[%swap3A_34, %swap3A_35], %broadcast_in_dim3A_33 {strides = array<i32>} : memref<16x128xf32, #tpu.memory_space<vmem>>, vector<16x128xf32>,
    %scan3A = arith.constant 0 : i32
    %scan3A_37 = arith.constant 128 : i32
    %scan3A_38 = arith.addi %scan3A, %scan3A_37 : i32
    %scan3A_39 = arith.constant 1 : i32
    scf.for %scan3A_41 = %scan3A to %scan3A_38 step %scan3A_39  : i32 {
      %get3A_42 = arith.constant 0 : index
      %get3A_43 = arith.constant 0 : index
      %get3A_44 = vector.load %arg8[%get3A_42, %get3A_43] : memref<16x128xi32, #tpu.memory_space<vmem>>, vector<16x1xi32>
      %eq3A = vector.broadcast %scan3A_41 : i32 to vector<16x128xi32>
      %eq3A_45 = arith.cmpi eq, %iota3A_8, %eq3A : vector<16x128xi32>
      %broadcast_in_dim3A_46 = vector.shape_cast %get3A_44 : vector<16x1xi32> to vector<16x1xi32>
      %broadcast_in_dim3A_47 = vector.broadcast %broadcast_in_dim3A_46 : vector<16x1xi32> to vector<16x128xi32>
      %get3A_48 = arith.constant 0 : index
      %get3A_49 = arith.constant 0 : index
      %get3A_50 = vector.load %arg3[%get3A_48, %get3A_49] : memref<16x128xi32, #tpu.memory_space<vmem>>, vector<16x128xi32>
      %select_n3A = arith.select %eq3A_45, %broadcast_in_dim3A_47, %get3A_50 : vector<16x128xi1>, vector<16x128xi32>
      %swap3A_51 = arith.constant 0 : index
      %swap3A_52 = arith.constant 0 : index
      %swap3A_53 = vector.load %arg3[%swap3A_51, %swap3A_52] : memref<16x128xi32, #tpu.memory_space<vmem>>, vector<16x128xi32>
      tpu.vector_store %arg3[%swap3A_51, %swap3A_52], %select_n3A {strides = array<i32>} : memref<16x128xi32, #tpu.memory_space<vmem>>, vector<16x128xi32>,
      %broadcast_in_dim3A_54 = vector.shape_cast %get3A_44 : vector<16x1xi32> to vector<16x1xi32>
      %broadcast_in_dim3A_55 = vector.broadcast %broadcast_in_dim3A_54 : vector<16x1xi32> to vector<16x512xi32>
      %eq3A_56 = arith.cmpi eq, %iota3A, %broadcast_in_dim3A_55 : vector<16x512xi32>
      %jit3A = arith.constant 0.000000e+00 : f32
      %broadcast_in_dim3A_57 = vector.broadcast %jit3A : f32 to vector<16x512xf32>
      %select_n3A_58 = arith.select %eq3A_56, %get3A_1, %broadcast_in_dim3A_57 : vector<16x512xi1>, vector<16x512xf32>
      %reduce_sum3A = arith.constant dense<0.000000e+00> : vector<16xf32>
      %reduce_sum3A_59 = vector.multi_reduction <add>, %select_n3A_58, %reduce_sum3A [1] : vector<16x512xf32> to vector<16xf32>
      %broadcast_in_dim3A_60 = vector.shape_cast %reduce_sum3A_59 : vector<16xf32> to vector<16x1xf32>
      %jit3A_61 = arith.constant 0.000000e+00 : f32
      %broadcast_in_dim3A_62 = vector.broadcast %jit3A_61 : f32 to vector<16x512xf32>
      %select_n3A_63 = arith.select %eq3A_56, %get3A_4, %broadcast_in_dim3A_62 : vector<16x512xi1>, vector<16x512xf32>
      %reduce_sum3A_64 = arith.constant dense<0.000000e+00> : vector<16xf32>
      %reduce_sum3A_65 = vector.multi_reduction <add>, %select_n3A_63, %reduce_sum3A_64 [1] : vector<16x512xf32> to vector<16xf32>
      %broadcast_in_dim3A_66 = vector.shape_cast %reduce_sum3A_65 : vector<16xf32> to vector<16x1xf32>
      %jit3A_67 = arith.constant 0.000000e+00 : f32
      %broadcast_in_dim3A_68 = vector.broadcast %jit3A_67 : f32 to vector<16x512xf32>
      %select_n3A_69 = arith.select %eq3A_56, %get3A_7, %broadcast_in_dim3A_68 : vector<16x512xi1>, vector<16x512xf32>
      %reduce_sum3A_70 = arith.constant dense<0.000000e+00> : vector<16xf32>
      %reduce_sum3A_71 = vector.multi_reduction <add>, %select_n3A_69, %reduce_sum3A_70 [1] : vector<16x512xf32> to vector<16xf32>
      %broadcast_in_dim3A_72 = vector.shape_cast %reduce_sum3A_71 : vector<16xf32> to vector<16x1xf32>
      %broadcast_in_dim3A_73 = vector.shape_cast %broadcast_in_dim3A_60 : vector<16x1xf32> to vector<16x1xf32>
      %broadcast_in_dim3A_74 = vector.broadcast %broadcast_in_dim3A_73 : vector<16x1xf32> to vector<16x128xf32>
      %get3A_75 = arith.constant 0 : index
      %get3A_76 = arith.constant 0 : index
      %get3A_77 = vector.load %arg4[%get3A_75, %get3A_76] : memref<16x128xf32, #tpu.memory_space<vmem>>, vector<16x128xf32>
      %select_n3A_78 = arith.select %eq3A_45, %broadcast_in_dim3A_74, %get3A_77 : vector<16x128xi1>, vector<16x128xf32>
      %swap3A_79 = arith.constant 0 : index
      %swap3A_80 = arith.constant 0 : index
      %swap3A_81 = vector.load %arg4[%swap3A_79, %swap3A_80] : memref<16x128xf32, #tpu.memory_space<vmem>>, vector<16x128xf32>
      tpu.vector_store %arg4[%swap3A_79, %swap3A_80], %select_n3A_78 {strides = array<i32>} : memref<16x128xf32, #tpu.memory_space<vmem>>, vector<16x128xf32>,
      %broadcast_in_dim3A_82 = vector.shape_cast %broadcast_in_dim3A_66 : vector<16x1xf32> to vector<16x1xf32>
      %broadcast_in_dim3A_83 = vector.broadcast %broadcast_in_dim3A_82 : vector<16x1xf32> to vector<16x128xf32>
      %get3A_84 = arith.constant 0 : index
      %get3A_85 = arith.constant 0 : index
      %get3A_86 = vector.load %arg5[%get3A_84, %get3A_85] : memref<16x128xf32, #tpu.memory_space<vmem>>, vector<16x128xf32>
      %select_n3A_87 = arith.select %eq3A_45, %broadcast_in_dim3A_83, %get3A_86 : vector<16x128xi1>, vector<16x128xf32>
      %swap3A_88 = arith.constant 0 : index
      %swap3A_89 = arith.constant 0 : index
      %swap3A_90 = vector.load %arg5[%swap3A_88, %swap3A_89] : memref<16x128xf32, #tpu.memory_space<vmem>>, vector<16x128xf32>
      tpu.vector_store %arg5[%swap3A_88, %swap3A_89], %select_n3A_87 {strides = array<i32>} : memref<16x128xf32, #tpu.memory_space<vmem>>, vector<16x128xf32>,
      %broadcast_in_dim3A_91 = vector.shape_cast %broadcast_in_dim3A_72 : vector<16x1xf32> to vector<16x1xf32>
      %broadcast_in_dim3A_92 = vector.broadcast %broadcast_in_dim3A_91 : vector<16x1xf32> to vector<16x128xf32>
      %get3A_93 = arith.constant 0 : index
      %get3A_94 = arith.constant 0 : index
      %get3A_95 = vector.load %arg6[%get3A_93, %get3A_94] : memref<16x128xf32, #tpu.memory_space<vmem>>, vector<16x128xf32>
      %select_n3A_96 = arith.select %eq3A_45, %broadcast_in_dim3A_92, %get3A_95 : vector<16x128xi1>, vector<16x128xf32>
      %swap3A_97 = arith.constant 0 : index
      %swap3A_98 = arith.constant 0 : index
      %swap3A_99 = vector.load %arg6[%swap3A_97, %swap3A_98] : memref<16x128xf32, #tpu.memory_space<vmem>>, vector<16x128xf32>
      tpu.vector_store %arg6[%swap3A_97, %swap3A_98], %select_n3A_96 {strides = array<i32>} : memref<16x128xf32, #tpu.memory_space<vmem>>, vector<16x128xf32>,
      %broadcast_in_dim3A_100 = vector.shape_cast %broadcast_in_dim3A_60 : vector<16x1xf32> to vector<16x1xf32>
      %broadcast_in_dim3A_101 = vector.broadcast %broadcast_in_dim3A_100 : vector<16x1xf32> to vector<16x512xf32>
      %sub3A = arith.subf %get3A_1, %broadcast_in_dim3A_101 : vector<16x512xf32>
      %broadcast_in_dim3A_102 = vector.shape_cast %broadcast_in_dim3A_66 : vector<16x1xf32> to vector<16x1xf32>
      %broadcast_in_dim3A_103 = vector.broadcast %broadcast_in_dim3A_102 : vector<16x1xf32> to vector<16x512xf32>
      %sub3A_104 = arith.subf %get3A_4, %broadcast_in_dim3A_103 : vector<16x512xf32>
      %broadcast_in_dim3A_105 = vector.shape_cast %broadcast_in_dim3A_72 : vector<16x1xf32> to vector<16x1xf32>
      %broadcast_in_dim3A_106 = vector.broadcast %broadcast_in_dim3A_105 : vector<16x1xf32> to vector<16x512xf32>
      %sub3A_107 = arith.subf %get3A_7, %broadcast_in_dim3A_106 : vector<16x512xf32>
      %mul3A = arith.mulf %sub3A, %sub3A : vector<16x512xf32>
      %mul3A_108 = arith.mulf %sub3A_104, %sub3A_104 : vector<16x512xf32>
      %add3A = arith.addf %mul3A, %mul3A_108 : vector<16x512xf32>
      %mul3A_109 = arith.mulf %sub3A_107, %sub3A_107 : vector<16x512xf32>
      %add3A_110 = arith.addf %add3A, %mul3A_109 : vector<16x512xf32>
      %get3A_111 = arith.constant 0 : index
      %get3A_112 = arith.constant 0 : index
      %get3A_113 = vector.load %arg7[%get3A_111, %get3A_112] : memref<16x512xf32, #tpu.memory_space<vmem>>, vector<16x512xf32>
      %min3A = arith.minimumf %get3A_113, %add3A_110 : vector<16x512xf32>
      %swap3A_114 = arith.constant 0 : index
      %swap3A_115 = arith.constant 0 : index
      %swap3A_116 = vector.load %arg7[%swap3A_114, %swap3A_115] : memref<16x512xf32, #tpu.memory_space<vmem>>, vector<16x512xf32>
      tpu.vector_store %arg7[%swap3A_114, %swap3A_115], %min3A {strides = array<i32>} : memref<16x512xf32, #tpu.memory_space<vmem>>, vector<16x512xf32>,
      %reduce_max3A = arith.constant dense<0xFF800000> : vector<16xf32>
      %reduce_max3A_117 = vector.multi_reduction <maximumf>, %min3A, %reduce_max3A [1] : vector<16x512xf32> to vector<16xf32>
      %broadcast_in_dim3A_118 = vector.shape_cast %reduce_max3A_117 : vector<16xf32> to vector<16x1xf32>
      %broadcast_in_dim3A_119 = vector.shape_cast %broadcast_in_dim3A_118 : vector<16x1xf32> to vector<16x1xf32>
      %broadcast_in_dim3A_120 = vector.broadcast %broadcast_in_dim3A_119 : vector<16x1xf32> to vector<16x512xf32>
      %eq3A_121 = arith.cmpf oeq, %min3A, %broadcast_in_dim3A_120 : vector<16x512xf32>
      %jit3A_122 = arith.constant 512 : i32
      %broadcast_in_dim3A_123 = vector.broadcast %jit3A_122 : i32 to vector<16x512xi32>
      %select_n3A_124 = arith.select %eq3A_121, %iota3A, %broadcast_in_dim3A_123 : vector<16x512xi1>, vector<16x512xi32>
      %reduce_min3A = arith.constant dense<2147483647> : vector<16xi32>
      %reduce_min3A_125 = vector.multi_reduction <minsi>, %select_n3A_124, %reduce_min3A [1] : vector<16x512xi32> to vector<16xi32>
      %broadcast_in_dim3A_126 = vector.shape_cast %reduce_min3A_125 : vector<16xi32> to vector<16x1xi32>
      %broadcast_in_dim3A_127 = vector.shape_cast %broadcast_in_dim3A_126 : vector<16x1xi32> to vector<16x1xi32>
      %broadcast_in_dim3A_128 = vector.broadcast %broadcast_in_dim3A_127 : vector<16x1xi32> to vector<16x128xi32>
      %swap3A_129 = arith.constant 0 : index
      %swap3A_130 = arith.constant 0 : index
      %swap3A_131 = vector.load %arg8[%swap3A_129, %swap3A_130] : memref<16x128xi32, #tpu.memory_space<vmem>>, vector<16x128xi32>
      tpu.vector_store %arg8[%swap3A_129, %swap3A_130], %broadcast_in_dim3A_128 {strides = array<i32>} : memref<16x128xi32, #tpu.memory_space<vmem>>, vector<16x128xi32>,
    }
    %scan3A_40 = arith.constant 128 : i32
    return
  }
}

module attributes {stable_mosaic.version = 14 : i64} {
  func.func @_mm_body(%arg0: i32, %arg1: memref<2048x6xf32, #tpu.memory_space<vmem>>, %arg2: memref<6x64xf32, #tpu.memory_space<vmem>>, %arg3: memref<1x64xf32, #tpu.memory_space<vmem>>, %arg4: memref<2048x64xf32, #tpu.memory_space<vmem>>, %arg5: memref<8x64xf32, #tpu.memory_space<vmem>>) attributes {dimension_semantics = [#tpu.dimension_semantics<arbitrary>], iteration_bounds = array<i64: 128>, scalar_prefetch = 0 : i64, scratch_operands = 0 : i64, tpu.core_type = #tpu.core_type<tc>, window_params = [{transform_indices = @transform_0, window_bounds = array<i64: 2048, 6>}, {pipeline_mode = #tpu.pipeline_mode<synchronous>, transform_indices = @transform_1, window_bounds = array<i64: 6, 64>}, {pipeline_mode = #tpu.pipeline_mode<synchronous>, transform_indices = @transform_2, window_bounds = array<i64: 1, 64>}, {transform_indices = @transform_3, window_bounds = array<i64: 2048, 64>}, {transform_indices = @transform_4, window_bounds = array<i64: 8, 64>}]} {
    %get3A = arith.constant 0 : index
    %get3A_0 = arith.constant 0 : index
    %get3A_1 = vector.load %arg1[%get3A, %get3A_0] : memref<2048x6xf32, #tpu.memory_space<vmem>>, vector<2048x6xf32>
    %get3A_2 = arith.constant 0 : index
    %get3A_3 = arith.constant 0 : index
    %get3A_4 = vector.load %arg2[%get3A_2, %get3A_3] : memref<6x64xf32, #tpu.memory_space<vmem>>, vector<6x64xf32>
    %dot_general3A = arith.constant dense<0.000000e+00> : vector<2048x64xf32>
    %dot_general3A_5 = tpu.matmul %get3A_1, %get3A_4, %dot_general3A {dimension_numbers = #tpu.dot_dimension_numbers<[1], [0], [0], [1], [0, 0, 1, 1], [], []>, transpose_lhs_hint = false} : vector<2048x6xf32>, vector<6x64xf32>, vector<2048x64xf32> -> vector<2048x64xf32>
    %get3A_6 = arith.constant 0 : index
    %get3A_7 = arith.constant 0 : index
    %get3A_8 = vector.load %arg3[%get3A_6, %get3A_7] : memref<1x64xf32, #tpu.memory_space<vmem>>, vector<1x64xf32>
    %add3A = vector.broadcast %get3A_8 : vector<1x64xf32> to vector<2048x64xf32>
    %add3A_9 = arith.addf %dot_general3A_5, %add3A : vector<2048x64xf32>
    %swap3A = arith.constant 0 : index
    %swap3A_10 = arith.constant 0 : index
    %swap3A_11 = vector.load %arg4[%swap3A, %swap3A_10] : memref<2048x64xf32, #tpu.memory_space<vmem>>, vector<2048x64xf32>
    tpu.vector_store %arg4[%swap3A, %swap3A_10], %add3A_9 {strides = array<i32>} : memref<2048x64xf32, #tpu.memory_space<vmem>>, vector<2048x64xf32>,
    %reduce_sum3A = arith.constant dense<0.000000e+00> : vector<64xf32>
    %reduce_sum3A_12 = vector.multi_reduction <add>, %add3A_9, %reduce_sum3A [0] : vector<2048x64xf32> to vector<64xf32>
    %broadcast_in_dim3A = vector.shape_cast %reduce_sum3A_12 : vector<64xf32> to vector<1x64xf32>
    %iota3A = tpu.iota {dimensions = array<i32: 0>} : vector<8x64xi32>
    %eq3A = arith.constant 0 : i32
    %eq3A_13 = vector.broadcast %eq3A : i32 to vector<8x64xi32>
    %eq3A_14 = arith.cmpi eq, %iota3A, %eq3A_13 : vector<8x64xi32>
    %broadcast_in_dim3A_15 = vector.shape_cast %broadcast_in_dim3A : vector<1x64xf32> to vector<1x64xf32>
    %broadcast_in_dim3A_16 = vector.broadcast %broadcast_in_dim3A_15 : vector<1x64xf32> to vector<8x64xf32>
    %jit3A = arith.constant 0.000000e+00 : f32
    %broadcast_in_dim3A_17 = vector.broadcast %jit3A : f32 to vector<8x64xf32>
    %select_n3A = arith.select %eq3A_14, %broadcast_in_dim3A_16, %broadcast_in_dim3A_17 : vector<8x64xi1>, vector<8x64xf32>
    %swap3A_18 = arith.constant 0 : index
    %swap3A_19 = arith.constant 0 : index
    %swap3A_20 = vector.load %arg5[%swap3A_18, %swap3A_19] : memref<8x64xf32, #tpu.memory_space<vmem>>, vector<8x64xf32>
    tpu.vector_store %arg5[%swap3A_18, %swap3A_19], %select_n3A {strides = array<i32>} : memref<8x64xf32, #tpu.memory_space<vmem>>, vector<8x64xf32>,
    return
  }
  func.func @transform_0(%arg0: i32) -> (i32, i32) {
    %c0_i32 = arith.constant 0 : i32
    %c0_i32_0 = arith.constant 0 : i32
    return %arg0, %c0_i32 : i32, i32
  }
  func.func @transform_1(%arg0: i32) -> (i32, i32) {
    %c0_i32 = arith.constant 0 : i32
    %c0_i32_0 = arith.constant 0 : i32
    %c0_i32_1 = arith.constant 0 : i32
    return %c0_i32, %c0_i32_0 : i32, i32
  }
  func.func @transform_2(%arg0: i32) -> (i32, i32) {
    %c0_i32 = arith.constant 0 : i32
    %c0_i32_0 = arith.constant 0 : i32
    %c0_i32_1 = arith.constant 0 : i32
    return %c0_i32, %c0_i32_0 : i32, i32
  }
  func.func @transform_3(%arg0: i32) -> (i32, i32) {
    %c0_i32 = arith.constant 0 : i32
    %c0_i32_0 = arith.constant 0 : i32
    return %arg0, %c0_i32 : i32, i32
  }
  func.func @transform_4(%arg0: i32) -> (i32, i32) {
    %c0_i32 = arith.constant 0 : i32
    %c0_i32_0 = arith.constant 0 : i32
    return %arg0, %c0_i32 : i32, i32
  }
}

module attributes {stable_mosaic.version = 14 : i64} {
  func.func @_ssq_body(%arg0: i32, %arg1: memref<2048x64xf32, #tpu.memory_space<vmem>>, %arg2: memref<1024x64xf32, #tpu.memory_space<vmem>>, %arg3: memref<8x64xf32, #tpu.memory_space<vmem>>) attributes {dimension_semantics = [#tpu.dimension_semantics<arbitrary>], iteration_bounds = array<i64: 128>, scalar_prefetch = 0 : i64, scratch_operands = 0 : i64, tpu.core_type = #tpu.core_type<tc>, window_params = [{transform_indices = @transform_0, window_bounds = array<i64: 2048, 64>}, {pipeline_mode = #tpu.pipeline_mode<synchronous>, transform_indices = @transform_1, window_bounds = array<i64: 1024, 64>}, {transform_indices = @transform_2, window_bounds = array<i64: 8, 64>}]} {
    %get3A = arith.constant 0 : index
    %get3A_0 = arith.constant 0 : index
    %get3A_1 = vector.load %arg2[%get3A, %get3A_0] : memref<1024x64xf32, #tpu.memory_space<vmem>>, vector<1024x64xf32>
    %reduce_sum3A = arith.constant dense<0.000000e+00> : vector<64xf32>
    %reduce_sum3A_2 = vector.multi_reduction <add>, %get3A_1, %reduce_sum3A [0] : vector<1024x64xf32> to vector<64xf32>
    %broadcast_in_dim3A = vector.shape_cast %reduce_sum3A_2 : vector<64xf32> to vector<1x64xf32>
    %mul3A = arith.constant 3.81469727E-6 : f32
    %mul3A_3 = vector.broadcast %mul3A : f32 to vector<1x64xf32>
    %mul3A_4 = arith.mulf %broadcast_in_dim3A, %mul3A_3 : vector<1x64xf32>
    %get3A_5 = arith.constant 0 : index
    %get3A_6 = arith.constant 0 : index
    %get3A_7 = vector.load %arg1[%get3A_5, %get3A_6] : memref<2048x64xf32, #tpu.memory_space<vmem>>, vector<2048x64xf32>
    %sub3A = vector.broadcast %mul3A_4 : vector<1x64xf32> to vector<2048x64xf32>
    %sub3A_8 = arith.subf %get3A_7, %sub3A : vector<2048x64xf32>
    %mul3A_9 = arith.mulf %sub3A_8, %sub3A_8 : vector<2048x64xf32>
    %reduce_sum3A_10 = arith.constant dense<0.000000e+00> : vector<64xf32>
    %reduce_sum3A_11 = vector.multi_reduction <add>, %mul3A_9, %reduce_sum3A_10 [0] : vector<2048x64xf32> to vector<64xf32>
    %broadcast_in_dim3A_12 = vector.shape_cast %reduce_sum3A_11 : vector<64xf32> to vector<1x64xf32>
    %iota3A = tpu.iota {dimensions = array<i32: 0>} : vector<8x64xi32>
    %eq3A = arith.constant 0 : i32
    %eq3A_13 = vector.broadcast %eq3A : i32 to vector<8x64xi32>
    %eq3A_14 = arith.cmpi eq, %iota3A, %eq3A_13 : vector<8x64xi32>
    %broadcast_in_dim3A_15 = vector.shape_cast %broadcast_in_dim3A_12 : vector<1x64xf32> to vector<1x64xf32>
    %broadcast_in_dim3A_16 = vector.broadcast %broadcast_in_dim3A_15 : vector<1x64xf32> to vector<8x64xf32>
    %jit3A = arith.constant 0.000000e+00 : f32
    %broadcast_in_dim3A_17 = vector.broadcast %jit3A : f32 to vector<8x64xf32>
    %select_n3A = arith.select %eq3A_14, %broadcast_in_dim3A_16, %broadcast_in_dim3A_17 : vector<8x64xi1>, vector<8x64xf32>
    %swap3A = arith.constant 0 : index
    %swap3A_18 = arith.constant 0 : index
    %swap3A_19 = vector.load %arg3[%swap3A, %swap3A_18] : memref<8x64xf32, #tpu.memory_space<vmem>>, vector<8x64xf32>
    tpu.vector_store %arg3[%swap3A, %swap3A_18], %select_n3A {strides = array<i32>} : memref<8x64xf32, #tpu.memory_space<vmem>>, vector<8x64xf32>,
    return
  }
  func.func @transform_0(%arg0: i32) -> (i32, i32) {
    %c0_i32 = arith.constant 0 : i32
    %c0_i32_0 = arith.constant 0 : i32
    return %arg0, %c0_i32 : i32, i32
  }
  func.func @transform_1(%arg0: i32) -> (i32, i32) {
    %c0_i32 = arith.constant 0 : i32
    %c0_i32_0 = arith.constant 0 : i32
    %c0_i32_1 = arith.constant 0 : i32
    return %c0_i32, %c0_i32_0 : i32, i32
  }
  func.func @transform_2(%arg0: i32) -> (i32, i32) {
    %c0_i32 = arith.constant 0 : i32
    %c0_i32_0 = arith.constant 0 : i32
    return %arg0, %c0_i32 : i32, i32
  }
}

module attributes {stable_mosaic.version = 14 : i64} {
  func.func @_bn_mm_body(%arg0: i32, %arg1: memref<2048x64xf32, #tpu.memory_space<vmem>>, %arg2: memref<1024x64xf32, #tpu.memory_space<vmem>>, %arg3: memref<1024x64xf32, #tpu.memory_space<vmem>>, %arg4: memref<1x64xf32, #tpu.memory_space<vmem>>, %arg5: memref<1x64xf32, #tpu.memory_space<vmem>>, %arg6: memref<64x64xf32, #tpu.memory_space<vmem>>, %arg7: memref<1x64xf32, #tpu.memory_space<vmem>>, %arg8: memref<2048x64xf32, #tpu.memory_space<vmem>>, %arg9: memref<8x64xf32, #tpu.memory_space<vmem>>) attributes {dimension_semantics = [#tpu.dimension_semantics<arbitrary>], iteration_bounds = array<i64: 128>, scalar_prefetch = 0 : i64, scratch_operands = 0 : i64, tpu.core_type = #tpu.core_type<tc>, window_params = [{transform_indices = @transform_0, window_bounds = array<i64: 2048, 64>}, {pipeline_mode = #tpu.pipeline_mode<synchronous>, transform_indices = @transform_1, window_bounds = array<i64: 1024, 64>}, {pipeline_mode = #tpu.pipeline_mode<synchronous>, transform_indices = @transform_2, window_bounds = array<i64: 1024, 64>}, {pipeline_mode = #tpu.pipeline_mode<synchronous>, transform_indices = @transform_3, window_bounds = array<i64: 1, 64>}, {pipeline_mode = #tpu.pipeline_mode<synchronous>, transform_indices = @transform_4, window_bounds = array<i64: 1, 64>}, {pipeline_mode = #tpu.pipeline_mode<synchronous>, transform_indices = @transform_5, window_bounds = array<i64: 64, 64>}, {pipeline_mode = #tpu.pipeline_mode<synchronous>, transform_indices = @transform_6, window_bounds = array<i64: 1, 64>}, {transform_indices = @transform_7, window_bounds = array<i64: 2048, 64>}, {transform_indices = @transform_8, window_bounds = array<i64: 8, 64>}]} {
    %get3A = arith.constant 0 : index
    %get3A_0 = arith.constant 0 : index
    %get3A_1 = vector.load %arg1[%get3A, %get3A_0] : memref<2048x64xf32, #tpu.memory_space<vmem>>, vector<2048x64xf32>
    %get3A_2 = arith.constant 0 : index
    %get3A_3 = arith.constant 0 : index
    %get3A_4 = vector.load %arg2[%get3A_2, %get3A_3] : memref<1024x64xf32, #tpu.memory_space<vmem>>, vector<1024x64xf32>
    %reduce_sum3A = arith.constant dense<0.000000e+00> : vector<64xf32>
    %reduce_sum3A_5 = vector.multi_reduction <add>, %get3A_4, %reduce_sum3A [0] : vector<1024x64xf32> to vector<64xf32>
    %broadcast_in_dim3A = vector.shape_cast %reduce_sum3A_5 : vector<64xf32> to vector<1x64xf32>
    %mul3A = arith.constant 3.81469727E-6 : f32
    %mul3A_6 = vector.broadcast %mul3A : f32 to vector<1x64xf32>
    %mul3A_7 = arith.mulf %broadcast_in_dim3A, %mul3A_6 : vector<1x64xf32>
    %get3A_8 = arith.constant 0 : index
    %get3A_9 = arith.constant 0 : index
    %get3A_10 = vector.load %arg3[%get3A_8, %get3A_9] : memref<1024x64xf32, #tpu.memory_space<vmem>>, vector<1024x64xf32>
    %reduce_sum3A_11 = arith.constant dense<0.000000e+00> : vector<64xf32>
    %reduce_sum3A_12 = vector.multi_reduction <add>, %get3A_10, %reduce_sum3A_11 [0] : vector<1024x64xf32> to vector<64xf32>
    %broadcast_in_dim3A_13 = vector.shape_cast %reduce_sum3A_12 : vector<64xf32> to vector<1x64xf32>
    %mul3A_14 = arith.constant 3.81469727E-6 : f32
    %mul3A_15 = vector.broadcast %mul3A_14 : f32 to vector<1x64xf32>
    %mul3A_16 = arith.mulf %broadcast_in_dim3A_13, %mul3A_15 : vector<1x64xf32>
    %sub3A = vector.broadcast %mul3A_7 : vector<1x64xf32> to vector<2048x64xf32>
    %sub3A_17 = arith.subf %get3A_1, %sub3A : vector<2048x64xf32>
    %add3A = arith.constant 9.99999974E-6 : f32
    %add3A_18 = vector.broadcast %add3A : f32 to vector<1x64xf32>
    %add3A_19 = arith.addf %mul3A_16, %add3A_18 : vector<1x64xf32>
    %sqrt3A = math.sqrt %add3A_19 : vector<1x64xf32>
    %div3A = vector.broadcast %sqrt3A : vector<1x64xf32> to vector<2048x64xf32>
    %div3A_20 = arith.divf %sub3A_17, %div3A : vector<2048x64xf32>
    %get3A_21 = arith.constant 0 : index
    %get3A_22 = arith.constant 0 : index
    %get3A_23 = vector.load %arg4[%get3A_21, %get3A_22] : memref<1x64xf32, #tpu.memory_space<vmem>>, vector<1x64xf32>
    %mul3A_24 = vector.broadcast %get3A_23 : vector<1x64xf32> to vector<2048x64xf32>
    %mul3A_25 = arith.mulf %div3A_20, %mul3A_24 : vector<2048x64xf32>
    %get3A_26 = arith.constant 0 : index
    %get3A_27 = arith.constant 0 : index
    %get3A_28 = vector.load %arg5[%get3A_26, %get3A_27] : memref<1x64xf32, #tpu.memory_space<vmem>>, vector<1x64xf32>
    %add3A_29 = vector.broadcast %get3A_28 : vector<1x64xf32> to vector<2048x64xf32>
    %add3A_30 = arith.addf %mul3A_25, %add3A_29 : vector<2048x64xf32>
    %max3A = arith.constant 0.000000e+00 : f32
    %max3A_31 = vector.broadcast %max3A : f32 to vector<2048x64xf32>
    %max3A_32 = arith.maximumf %add3A_30, %max3A_31 : vector<2048x64xf32>
    %get3A_33 = arith.constant 0 : index
    %get3A_34 = arith.constant 0 : index
    %get3A_35 = vector.load %arg6[%get3A_33, %get3A_34] : memref<64x64xf32, #tpu.memory_space<vmem>>, vector<64x64xf32>
    %dot_general3A = arith.constant dense<0.000000e+00> : vector<2048x64xf32>
    %dot_general3A_36 = tpu.matmul %max3A_32, %get3A_35, %dot_general3A {dimension_numbers = #tpu.dot_dimension_numbers<[1], [0], [0], [1], [0, 0, 1, 1], [], []>, transpose_lhs_hint = false} : vector<2048x64xf32>, vector<64x64xf32>, vector<2048x64xf32> -> vector<2048x64xf32>
    %get3A_37 = arith.constant 0 : index
    %get3A_38 = arith.constant 0 : index
    %get3A_39 = vector.load %arg7[%get3A_37, %get3A_38] : memref<1x64xf32, #tpu.memory_space<vmem>>, vector<1x64xf32>
    %add3A_40 = vector.broadcast %get3A_39 : vector<1x64xf32> to vector<2048x64xf32>
    %add3A_41 = arith.addf %dot_general3A_36, %add3A_40 : vector<2048x64xf32>
    %swap3A = arith.constant 0 : index
    %swap3A_42 = arith.constant 0 : index
    %swap3A_43 = vector.load %arg8[%swap3A, %swap3A_42] : memref<2048x64xf32, #tpu.memory_space<vmem>>, vector<2048x64xf32>
    tpu.vector_store %arg8[%swap3A, %swap3A_42], %add3A_41 {strides = array<i32>} : memref<2048x64xf32, #tpu.memory_space<vmem>>, vector<2048x64xf32>,
    %reduce_sum3A_44 = arith.constant dense<0.000000e+00> : vector<64xf32>
    %reduce_sum3A_45 = vector.multi_reduction <add>, %add3A_41, %reduce_sum3A_44 [0] : vector<2048x64xf32> to vector<64xf32>
    %broadcast_in_dim3A_46 = vector.shape_cast %reduce_sum3A_45 : vector<64xf32> to vector<1x64xf32>
    %iota3A = tpu.iota {dimensions = array<i32: 0>} : vector<8x64xi32>
    %eq3A = arith.constant 0 : i32
    %eq3A_47 = vector.broadcast %eq3A : i32 to vector<8x64xi32>
    %eq3A_48 = arith.cmpi eq, %iota3A, %eq3A_47 : vector<8x64xi32>
    %broadcast_in_dim3A_49 = vector.shape_cast %broadcast_in_dim3A_46 : vector<1x64xf32> to vector<1x64xf32>
    %broadcast_in_dim3A_50 = vector.broadcast %broadcast_in_dim3A_49 : vector<1x64xf32> to vector<8x64xf32>
    %jit3A = arith.constant 0.000000e+00 : f32
    %broadcast_in_dim3A_51 = vector.broadcast %jit3A : f32 to vector<8x64xf32>
    %select_n3A = arith.select %eq3A_48, %broadcast_in_dim3A_50, %broadcast_in_dim3A_51 : vector<8x64xi1>, vector<8x64xf32>
    %swap3A_52 = arith.constant 0 : index
    %swap3A_53 = arith.constant 0 : index
    %swap3A_54 = vector.load %arg9[%swap3A_52, %swap3A_53] : memref<8x64xf32, #tpu.memory_space<vmem>>, vector<8x64xf32>
    tpu.vector_store %arg9[%swap3A_52, %swap3A_53], %select_n3A {strides = array<i32>} : memref<8x64xf32, #tpu.memory_space<vmem>>, vector<8x64xf32>,
    return
  }
  func.func @transform_0(%arg0: i32) -> (i32, i32) {
    %c0_i32 = arith.constant 0 : i32
    %c0_i32_0 = arith.constant 0 : i32
    return %arg0, %c0_i32 : i32, i32
  }
  func.func @transform_1(%arg0: i32) -> (i32, i32) {
    %c0_i32 = arith.constant 0 : i32
    %c0_i32_0 = arith.constant 0 : i32
    %c0_i32_1 = arith.constant 0 : i32
    return %c0_i32, %c0_i32_0 : i32, i32
  }
  func.func @transform_2(%arg0: i32) -> (i32, i32) {
    %c0_i32 = arith.constant 0 : i32
    %c0_i32_0 = arith.constant 0 : i32
    %c0_i32_1 = arith.constant 0 : i32
    return %c0_i32, %c0_i32_0 : i32, i32
  }
  func.func @transform_3(%arg0: i32) -> (i32, i32) {
    %c0_i32 = arith.constant 0 : i32
    %c0_i32_0 = arith.constant 0 : i32
    %c0_i32_1 = arith.constant 0 : i32
    return %c0_i32, %c0_i32_0 : i32, i32
  }
  func.func @transform_4(%arg0: i32) -> (i32, i32) {
    %c0_i32 = arith.constant 0 : i32
    %c0_i32_0 = arith.constant 0 : i32
    %c0_i32_1 = arith.constant 0 : i32
    return %c0_i32, %c0_i32_0 : i32, i32
  }
  func.func @transform_5(%arg0: i32) -> (i32, i32) {
    %c0_i32 = arith.constant 0 : i32
    %c0_i32_0 = arith.constant 0 : i32
    %c0_i32_1 = arith.constant 0 : i32
    return %c0_i32, %c0_i32_0 : i32, i32
  }
  func.func @transform_6(%arg0: i32) -> (i32, i32) {
    %c0_i32 = arith.constant 0 : i32
    %c0_i32_0 = arith.constant 0 : i32
    %c0_i32_1 = arith.constant 0 : i32
    return %c0_i32, %c0_i32_0 : i32, i32
  }
  func.func @transform_7(%arg0: i32) -> (i32, i32) {
    %c0_i32 = arith.constant 0 : i32
    %c0_i32_0 = arith.constant 0 : i32
    return %arg0, %c0_i32 : i32, i32
  }
  func.func @transform_8(%arg0: i32) -> (i32, i32) {
    %c0_i32 = arith.constant 0 : i32
    %c0_i32_0 = arith.constant 0 : i32
    return %arg0, %c0_i32 : i32, i32
  }
}

module attributes {stable_mosaic.version = 14 : i64} {
  func.func @_bn_mm_body(%arg0: i32, %arg1: memref<2048x64xf32, #tpu.memory_space<vmem>>, %arg2: memref<1024x64xf32, #tpu.memory_space<vmem>>, %arg3: memref<1024x64xf32, #tpu.memory_space<vmem>>, %arg4: memref<1x64xf32, #tpu.memory_space<vmem>>, %arg5: memref<1x64xf32, #tpu.memory_space<vmem>>, %arg6: memref<64x128xf32, #tpu.memory_space<vmem>>, %arg7: memref<1x128xf32, #tpu.memory_space<vmem>>, %arg8: memref<2048x128xf32, #tpu.memory_space<vmem>>, %arg9: memref<8x128xf32, #tpu.memory_space<vmem>>) attributes {dimension_semantics = [#tpu.dimension_semantics<arbitrary>], iteration_bounds = array<i64: 128>, scalar_prefetch = 0 : i64, scratch_operands = 0 : i64, tpu.core_type = #tpu.core_type<tc>, window_params = [{transform_indices = @transform_0, window_bounds = array<i64: 2048, 64>}, {pipeline_mode = #tpu.pipeline_mode<synchronous>, transform_indices = @transform_1, window_bounds = array<i64: 1024, 64>}, {pipeline_mode = #tpu.pipeline_mode<synchronous>, transform_indices = @transform_2, window_bounds = array<i64: 1024, 64>}, {pipeline_mode = #tpu.pipeline_mode<synchronous>, transform_indices = @transform_3, window_bounds = array<i64: 1, 64>}, {pipeline_mode = #tpu.pipeline_mode<synchronous>, transform_indices = @transform_4, window_bounds = array<i64: 1, 64>}, {pipeline_mode = #tpu.pipeline_mode<synchronous>, transform_indices = @transform_5, window_bounds = array<i64: 64, 128>}, {pipeline_mode = #tpu.pipeline_mode<synchronous>, transform_indices = @transform_6, window_bounds = array<i64: 1, 128>}, {transform_indices = @transform_7, window_bounds = array<i64: 2048, 128>}, {transform_indices = @transform_8, window_bounds = array<i64: 8, 128>}]} {
    %get3A = arith.constant 0 : index
    %get3A_0 = arith.constant 0 : index
    %get3A_1 = vector.load %arg1[%get3A, %get3A_0] : memref<2048x64xf32, #tpu.memory_space<vmem>>, vector<2048x64xf32>
    %get3A_2 = arith.constant 0 : index
    %get3A_3 = arith.constant 0 : index
    %get3A_4 = vector.load %arg2[%get3A_2, %get3A_3] : memref<1024x64xf32, #tpu.memory_space<vmem>>, vector<1024x64xf32>
    %reduce_sum3A = arith.constant dense<0.000000e+00> : vector<64xf32>
    %reduce_sum3A_5 = vector.multi_reduction <add>, %get3A_4, %reduce_sum3A [0] : vector<1024x64xf32> to vector<64xf32>
    %broadcast_in_dim3A = vector.shape_cast %reduce_sum3A_5 : vector<64xf32> to vector<1x64xf32>
    %mul3A = arith.constant 3.81469727E-6 : f32
    %mul3A_6 = vector.broadcast %mul3A : f32 to vector<1x64xf32>
    %mul3A_7 = arith.mulf %broadcast_in_dim3A, %mul3A_6 : vector<1x64xf32>
    %get3A_8 = arith.constant 0 : index
    %get3A_9 = arith.constant 0 : index
    %get3A_10 = vector.load %arg3[%get3A_8, %get3A_9] : memref<1024x64xf32, #tpu.memory_space<vmem>>, vector<1024x64xf32>
    %reduce_sum3A_11 = arith.constant dense<0.000000e+00> : vector<64xf32>
    %reduce_sum3A_12 = vector.multi_reduction <add>, %get3A_10, %reduce_sum3A_11 [0] : vector<1024x64xf32> to vector<64xf32>
    %broadcast_in_dim3A_13 = vector.shape_cast %reduce_sum3A_12 : vector<64xf32> to vector<1x64xf32>
    %mul3A_14 = arith.constant 3.81469727E-6 : f32
    %mul3A_15 = vector.broadcast %mul3A_14 : f32 to vector<1x64xf32>
    %mul3A_16 = arith.mulf %broadcast_in_dim3A_13, %mul3A_15 : vector<1x64xf32>
    %sub3A = vector.broadcast %mul3A_7 : vector<1x64xf32> to vector<2048x64xf32>
    %sub3A_17 = arith.subf %get3A_1, %sub3A : vector<2048x64xf32>
    %add3A = arith.constant 9.99999974E-6 : f32
    %add3A_18 = vector.broadcast %add3A : f32 to vector<1x64xf32>
    %add3A_19 = arith.addf %mul3A_16, %add3A_18 : vector<1x64xf32>
    %sqrt3A = math.sqrt %add3A_19 : vector<1x64xf32>
    %div3A = vector.broadcast %sqrt3A : vector<1x64xf32> to vector<2048x64xf32>
    %div3A_20 = arith.divf %sub3A_17, %div3A : vector<2048x64xf32>
    %get3A_21 = arith.constant 0 : index
    %get3A_22 = arith.constant 0 : index
    %get3A_23 = vector.load %arg4[%get3A_21, %get3A_22] : memref<1x64xf32, #tpu.memory_space<vmem>>, vector<1x64xf32>
    %mul3A_24 = vector.broadcast %get3A_23 : vector<1x64xf32> to vector<2048x64xf32>
    %mul3A_25 = arith.mulf %div3A_20, %mul3A_24 : vector<2048x64xf32>
    %get3A_26 = arith.constant 0 : index
    %get3A_27 = arith.constant 0 : index
    %get3A_28 = vector.load %arg5[%get3A_26, %get3A_27] : memref<1x64xf32, #tpu.memory_space<vmem>>, vector<1x64xf32>
    %add3A_29 = vector.broadcast %get3A_28 : vector<1x64xf32> to vector<2048x64xf32>
    %add3A_30 = arith.addf %mul3A_25, %add3A_29 : vector<2048x64xf32>
    %max3A = arith.constant 0.000000e+00 : f32
    %max3A_31 = vector.broadcast %max3A : f32 to vector<2048x64xf32>
    %max3A_32 = arith.maximumf %add3A_30, %max3A_31 : vector<2048x64xf32>
    %get3A_33 = arith.constant 0 : index
    %get3A_34 = arith.constant 0 : index
    %get3A_35 = vector.load %arg6[%get3A_33, %get3A_34] : memref<64x128xf32, #tpu.memory_space<vmem>>, vector<64x128xf32>
    %dot_general3A = arith.constant dense<0.000000e+00> : vector<2048x128xf32>
    %dot_general3A_36 = tpu.matmul %max3A_32, %get3A_35, %dot_general3A {dimension_numbers = #tpu.dot_dimension_numbers<[1], [0], [0], [1], [0, 0, 1, 1], [], []>, transpose_lhs_hint = false} : vector<2048x64xf32>, vector<64x128xf32>, vector<2048x128xf32> -> vector<2048x128xf32>
    %get3A_37 = arith.constant 0 : index
    %get3A_38 = arith.constant 0 : index
    %get3A_39 = vector.load %arg7[%get3A_37, %get3A_38] : memref<1x128xf32, #tpu.memory_space<vmem>>, vector<1x128xf32>
    %add3A_40 = vector.broadcast %get3A_39 : vector<1x128xf32> to vector<2048x128xf32>
    %add3A_41 = arith.addf %dot_general3A_36, %add3A_40 : vector<2048x128xf32>
    %swap3A = arith.constant 0 : index
    %swap3A_42 = arith.constant 0 : index
    %swap3A_43 = vector.load %arg8[%swap3A, %swap3A_42] : memref<2048x128xf32, #tpu.memory_space<vmem>>, vector<2048x128xf32>
    tpu.vector_store %arg8[%swap3A, %swap3A_42], %add3A_41 {strides = array<i32>} : memref<2048x128xf32, #tpu.memory_space<vmem>>, vector<2048x128xf32>,
    %reduce_sum3A_44 = arith.constant dense<0.000000e+00> : vector<128xf32>
    %reduce_sum3A_45 = vector.multi_reduction <add>, %add3A_41, %reduce_sum3A_44 [0] : vector<2048x128xf32> to vector<128xf32>
    %broadcast_in_dim3A_46 = vector.shape_cast %reduce_sum3A_45 : vector<128xf32> to vector<1x128xf32>
    %iota3A = tpu.iota {dimensions = array<i32: 0>} : vector<8x128xi32>
    %eq3A = arith.constant 0 : i32
    %eq3A_47 = vector.broadcast %eq3A : i32 to vector<8x128xi32>
    %eq3A_48 = arith.cmpi eq, %iota3A, %eq3A_47 : vector<8x128xi32>
    %broadcast_in_dim3A_49 = vector.shape_cast %broadcast_in_dim3A_46 : vector<1x128xf32> to vector<1x128xf32>
    %broadcast_in_dim3A_50 = vector.broadcast %broadcast_in_dim3A_49 : vector<1x128xf32> to vector<8x128xf32>
    %jit3A = arith.constant 0.000000e+00 : f32
    %broadcast_in_dim3A_51 = vector.broadcast %jit3A : f32 to vector<8x128xf32>
    %select_n3A = arith.select %eq3A_48, %broadcast_in_dim3A_50, %broadcast_in_dim3A_51 : vector<8x128xi1>, vector<8x128xf32>
    %swap3A_52 = arith.constant 0 : index
    %swap3A_53 = arith.constant 0 : index
    %swap3A_54 = vector.load %arg9[%swap3A_52, %swap3A_53] : memref<8x128xf32, #tpu.memory_space<vmem>>, vector<8x128xf32>
    tpu.vector_store %arg9[%swap3A_52, %swap3A_53], %select_n3A {strides = array<i32>} : memref<8x128xf32, #tpu.memory_space<vmem>>, vector<8x128xf32>,
    return
  }
  func.func @transform_0(%arg0: i32) -> (i32, i32) {
    %c0_i32 = arith.constant 0 : i32
    %c0_i32_0 = arith.constant 0 : i32
    return %arg0, %c0_i32 : i32, i32
  }
  func.func @transform_1(%arg0: i32) -> (i32, i32) {
    %c0_i32 = arith.constant 0 : i32
    %c0_i32_0 = arith.constant 0 : i32
    %c0_i32_1 = arith.constant 0 : i32
    return %c0_i32, %c0_i32_0 : i32, i32
  }
  func.func @transform_2(%arg0: i32) -> (i32, i32) {
    %c0_i32 = arith.constant 0 : i32
    %c0_i32_0 = arith.constant 0 : i32
    %c0_i32_1 = arith.constant 0 : i32
    return %c0_i32, %c0_i32_0 : i32, i32
  }
  func.func @transform_3(%arg0: i32) -> (i32, i32) {
    %c0_i32 = arith.constant 0 : i32
    %c0_i32_0 = arith.constant 0 : i32
    %c0_i32_1 = arith.constant 0 : i32
    return %c0_i32, %c0_i32_0 : i32, i32
  }
  func.func @transform_4(%arg0: i32) -> (i32, i32) {
    %c0_i32 = arith.constant 0 : i32
    %c0_i32_0 = arith.constant 0 : i32
    %c0_i32_1 = arith.constant 0 : i32
    return %c0_i32, %c0_i32_0 : i32, i32
  }
  func.func @transform_5(%arg0: i32) -> (i32, i32) {
    %c0_i32 = arith.constant 0 : i32
    %c0_i32_0 = arith.constant 0 : i32
    %c0_i32_1 = arith.constant 0 : i32
    return %c0_i32, %c0_i32_0 : i32, i32
  }
  func.func @transform_6(%arg0: i32) -> (i32, i32) {
    %c0_i32 = arith.constant 0 : i32
    %c0_i32_0 = arith.constant 0 : i32
    %c0_i32_1 = arith.constant 0 : i32
    return %c0_i32, %c0_i32_0 : i32, i32
  }
  func.func @transform_7(%arg0: i32) -> (i32, i32) {
    %c0_i32 = arith.constant 0 : i32
    %c0_i32_0 = arith.constant 0 : i32
    return %arg0, %c0_i32 : i32, i32
  }
  func.func @transform_8(%arg0: i32) -> (i32, i32) {
    %c0_i32 = arith.constant 0 : i32
    %c0_i32_0 = arith.constant 0 : i32
    return %arg0, %c0_i32 : i32, i32
  }
}

module attributes {stable_mosaic.version = 14 : i64} {
  func.func @_ssq_body(%arg0: i32, %arg1: memref<2048x128xf32, #tpu.memory_space<vmem>>, %arg2: memref<1024x128xf32, #tpu.memory_space<vmem>>, %arg3: memref<8x128xf32, #tpu.memory_space<vmem>>) attributes {dimension_semantics = [#tpu.dimension_semantics<arbitrary>], iteration_bounds = array<i64: 128>, scalar_prefetch = 0 : i64, scratch_operands = 0 : i64, tpu.core_type = #tpu.core_type<tc>, window_params = [{transform_indices = @transform_0, window_bounds = array<i64: 2048, 128>}, {pipeline_mode = #tpu.pipeline_mode<synchronous>, transform_indices = @transform_1, window_bounds = array<i64: 1024, 128>}, {transform_indices = @transform_2, window_bounds = array<i64: 8, 128>}]} {
    %get3A = arith.constant 0 : index
    %get3A_0 = arith.constant 0 : index
    %get3A_1 = vector.load %arg2[%get3A, %get3A_0] : memref<1024x128xf32, #tpu.memory_space<vmem>>, vector<1024x128xf32>
    %reduce_sum3A = arith.constant dense<0.000000e+00> : vector<128xf32>
    %reduce_sum3A_2 = vector.multi_reduction <add>, %get3A_1, %reduce_sum3A [0] : vector<1024x128xf32> to vector<128xf32>
    %broadcast_in_dim3A = vector.shape_cast %reduce_sum3A_2 : vector<128xf32> to vector<1x128xf32>
    %mul3A = arith.constant 3.81469727E-6 : f32
    %mul3A_3 = vector.broadcast %mul3A : f32 to vector<1x128xf32>
    %mul3A_4 = arith.mulf %broadcast_in_dim3A, %mul3A_3 : vector<1x128xf32>
    %get3A_5 = arith.constant 0 : index
    %get3A_6 = arith.constant 0 : index
    %get3A_7 = vector.load %arg1[%get3A_5, %get3A_6] : memref<2048x128xf32, #tpu.memory_space<vmem>>, vector<2048x128xf32>
    %sub3A = vector.broadcast %mul3A_4 : vector<1x128xf32> to vector<2048x128xf32>
    %sub3A_8 = arith.subf %get3A_7, %sub3A : vector<2048x128xf32>
    %mul3A_9 = arith.mulf %sub3A_8, %sub3A_8 : vector<2048x128xf32>
    %reduce_sum3A_10 = arith.constant dense<0.000000e+00> : vector<128xf32>
    %reduce_sum3A_11 = vector.multi_reduction <add>, %mul3A_9, %reduce_sum3A_10 [0] : vector<2048x128xf32> to vector<128xf32>
    %broadcast_in_dim3A_12 = vector.shape_cast %reduce_sum3A_11 : vector<128xf32> to vector<1x128xf32>
    %iota3A = tpu.iota {dimensions = array<i32: 0>} : vector<8x128xi32>
    %eq3A = arith.constant 0 : i32
    %eq3A_13 = vector.broadcast %eq3A : i32 to vector<8x128xi32>
    %eq3A_14 = arith.cmpi eq, %iota3A, %eq3A_13 : vector<8x128xi32>
    %broadcast_in_dim3A_15 = vector.shape_cast %broadcast_in_dim3A_12 : vector<1x128xf32> to vector<1x128xf32>
    %broadcast_in_dim3A_16 = vector.broadcast %broadcast_in_dim3A_15 : vector<1x128xf32> to vector<8x128xf32>
    %jit3A = arith.constant 0.000000e+00 : f32
    %broadcast_in_dim3A_17 = vector.broadcast %jit3A : f32 to vector<8x128xf32>
    %select_n3A = arith.select %eq3A_14, %broadcast_in_dim3A_16, %broadcast_in_dim3A_17 : vector<8x128xi1>, vector<8x128xf32>
    %swap3A = arith.constant 0 : index
    %swap3A_18 = arith.constant 0 : index
    %swap3A_19 = vector.load %arg3[%swap3A, %swap3A_18] : memref<8x128xf32, #tpu.memory_space<vmem>>, vector<8x128xf32>
    tpu.vector_store %arg3[%swap3A, %swap3A_18], %select_n3A {strides = array<i32>} : memref<8x128xf32, #tpu.memory_space<vmem>>, vector<8x128xf32>,
    return
  }
  func.func @transform_0(%arg0: i32) -> (i32, i32) {
    %c0_i32 = arith.constant 0 : i32
    %c0_i32_0 = arith.constant 0 : i32
    return %arg0, %c0_i32 : i32, i32
  }
  func.func @transform_1(%arg0: i32) -> (i32, i32) {
    %c0_i32 = arith.constant 0 : i32
    %c0_i32_0 = arith.constant 0 : i32
    %c0_i32_1 = arith.constant 0 : i32
    return %c0_i32, %c0_i32_0 : i32, i32
  }
  func.func @transform_2(%arg0: i32) -> (i32, i32) {
    %c0_i32 = arith.constant 0 : i32
    %c0_i32_0 = arith.constant 0 : i32
    return %arg0, %c0_i32 : i32, i32
  }
}

module attributes {stable_mosaic.version = 14 : i64} {
  func.func @_bn_pool_body(%arg0: i32, %arg1: memref<2048x128xf32, #tpu.memory_space<vmem>>, %arg2: memref<1024x128xf32, #tpu.memory_space<vmem>>, %arg3: memref<1024x128xf32, #tpu.memory_space<vmem>>, %arg4: memref<1x128xf32, #tpu.memory_space<vmem>>, %arg5: memref<1x128xf32, #tpu.memory_space<vmem>>, %arg6: memref<64x128xf32, #tpu.memory_space<vmem>>) attributes {dimension_semantics = [#tpu.dimension_semantics<arbitrary>], iteration_bounds = array<i64: 128>, scalar_prefetch = 0 : i64, scratch_operands = 0 : i64, tpu.core_type = #tpu.core_type<tc>, window_params = [{transform_indices = @transform_0, window_bounds = array<i64: 2048, 128>}, {pipeline_mode = #tpu.pipeline_mode<synchronous>, transform_indices = @transform_1, window_bounds = array<i64: 1024, 128>}, {pipeline_mode = #tpu.pipeline_mode<synchronous>, transform_indices = @transform_2, window_bounds = array<i64: 1024, 128>}, {pipeline_mode = #tpu.pipeline_mode<synchronous>, transform_indices = @transform_3, window_bounds = array<i64: 1, 128>}, {pipeline_mode = #tpu.pipeline_mode<synchronous>, transform_indices = @transform_4, window_bounds = array<i64: 1, 128>}, {transform_indices = @transform_5, window_bounds = array<i64: 64, 128>}]} {
    %get3A = arith.constant 0 : index
    %get3A_0 = arith.constant 0 : index
    %get3A_1 = vector.load %arg1[%get3A, %get3A_0] : memref<2048x128xf32, #tpu.memory_space<vmem>>, vector<2048x128xf32>
    %get3A_2 = arith.constant 0 : index
    %get3A_3 = arith.constant 0 : index
    %get3A_4 = vector.load %arg2[%get3A_2, %get3A_3] : memref<1024x128xf32, #tpu.memory_space<vmem>>, vector<1024x128xf32>
    %reduce_sum3A = arith.constant dense<0.000000e+00> : vector<128xf32>
    %reduce_sum3A_5 = vector.multi_reduction <add>, %get3A_4, %reduce_sum3A [0] : vector<1024x128xf32> to vector<128xf32>
    %broadcast_in_dim3A = vector.shape_cast %reduce_sum3A_5 : vector<128xf32> to vector<1x128xf32>
    %mul3A = arith.constant 3.81469727E-6 : f32
    %mul3A_6 = vector.broadcast %mul3A : f32 to vector<1x128xf32>
    %mul3A_7 = arith.mulf %broadcast_in_dim3A, %mul3A_6 : vector<1x128xf32>
    %get3A_8 = arith.constant 0 : index
    %get3A_9 = arith.constant 0 : index
    %get3A_10 = vector.load %arg3[%get3A_8, %get3A_9] : memref<1024x128xf32, #tpu.memory_space<vmem>>, vector<1024x128xf32>
    %reduce_sum3A_11 = arith.constant dense<0.000000e+00> : vector<128xf32>
    %reduce_sum3A_12 = vector.multi_reduction <add>, %get3A_10, %reduce_sum3A_11 [0] : vector<1024x128xf32> to vector<128xf32>
    %broadcast_in_dim3A_13 = vector.shape_cast %reduce_sum3A_12 : vector<128xf32> to vector<1x128xf32>
    %mul3A_14 = arith.constant 3.81469727E-6 : f32
    %mul3A_15 = vector.broadcast %mul3A_14 : f32 to vector<1x128xf32>
    %mul3A_16 = arith.mulf %broadcast_in_dim3A_13, %mul3A_15 : vector<1x128xf32>
    %sub3A = vector.broadcast %mul3A_7 : vector<1x128xf32> to vector<2048x128xf32>
    %sub3A_17 = arith.subf %get3A_1, %sub3A : vector<2048x128xf32>
    %add3A = arith.constant 9.99999974E-6 : f32
    %add3A_18 = vector.broadcast %add3A : f32 to vector<1x128xf32>
    %add3A_19 = arith.addf %mul3A_16, %add3A_18 : vector<1x128xf32>
    %sqrt3A = math.sqrt %add3A_19 : vector<1x128xf32>
    %div3A = vector.broadcast %sqrt3A : vector<1x128xf32> to vector<2048x128xf32>
    %div3A_20 = arith.divf %sub3A_17, %div3A : vector<2048x128xf32>
    %get3A_21 = arith.constant 0 : index
    %get3A_22 = arith.constant 0 : index
    %get3A_23 = vector.load %arg4[%get3A_21, %get3A_22] : memref<1x128xf32, #tpu.memory_space<vmem>>, vector<1x128xf32>
    %mul3A_24 = vector.broadcast %get3A_23 : vector<1x128xf32> to vector<2048x128xf32>
    %mul3A_25 = arith.mulf %div3A_20, %mul3A_24 : vector<2048x128xf32>
    %get3A_26 = arith.constant 0 : index
    %get3A_27 = arith.constant 0 : index
    %get3A_28 = vector.load %arg5[%get3A_26, %get3A_27] : memref<1x128xf32, #tpu.memory_space<vmem>>, vector<1x128xf32>
    %add3A_29 = vector.broadcast %get3A_28 : vector<1x128xf32> to vector<2048x128xf32>
    %add3A_30 = arith.addf %mul3A_25, %add3A_29 : vector<2048x128xf32>
    %max3A = arith.constant 0.000000e+00 : f32
    %max3A_31 = vector.broadcast %max3A : f32 to vector<2048x128xf32>
    %max3A_32 = arith.maximumf %add3A_30, %max3A_31 : vector<2048x128xf32>
    %reshape3A = vector.shape_cast %max3A_32 : vector<2048x128xf32> to vector<64x32x128xf32>
    %reduce_max3A = arith.constant dense<0xFF800000> : vector<64x128xf32>
    %reduce_max3A_33 = vector.multi_reduction <maximumf>, %reshape3A, %reduce_max3A [1] : vector<64x32x128xf32> to vector<64x128xf32>
    %swap3A = arith.constant 0 : index
    %swap3A_34 = arith.constant 0 : index
    %swap3A_35 = vector.load %arg6[%swap3A, %swap3A_34] : memref<64x128xf32, #tpu.memory_space<vmem>>, vector<64x128xf32>
    tpu.vector_store %arg6[%swap3A, %swap3A_34], %reduce_max3A_33 {strides = array<i32>} : memref<64x128xf32, #tpu.memory_space<vmem>>, vector<64x128xf32>,
    return
  }
  func.func @transform_0(%arg0: i32) -> (i32, i32) {
    %c0_i32 = arith.constant 0 : i32
    %c0_i32_0 = arith.constant 0 : i32
    return %arg0, %c0_i32 : i32, i32
  }
  func.func @transform_1(%arg0: i32) -> (i32, i32) {
    %c0_i32 = arith.constant 0 : i32
    %c0_i32_0 = arith.constant 0 : i32
    %c0_i32_1 = arith.constant 0 : i32
    return %c0_i32, %c0_i32_0 : i32, i32
  }
  func.func @transform_2(%arg0: i32) -> (i32, i32) {
    %c0_i32 = arith.constant 0 : i32
    %c0_i32_0 = arith.constant 0 : i32
    %c0_i32_1 = arith.constant 0 : i32
    return %c0_i32, %c0_i32_0 : i32, i32
  }
  func.func @transform_3(%arg0: i32) -> (i32, i32) {
    %c0_i32 = arith.constant 0 : i32
    %c0_i32_0 = arith.constant 0 : i32
    %c0_i32_1 = arith.constant 0 : i32
    return %c0_i32, %c0_i32_0 : i32, i32
  }
  func.func @transform_4(%arg0: i32) -> (i32, i32) {
    %c0_i32 = arith.constant 0 : i32
    %c0_i32_0 = arith.constant 0 : i32
    %c0_i32_1 = arith.constant 0 : i32
    return %c0_i32, %c0_i32_0 : i32, i32
  }
  func.func @transform_5(%arg0: i32) -> (i32, i32) {
    %c0_i32 = arith.constant 0 : i32
    %c0_i32_0 = arith.constant 0 : i32
    return %arg0, %c0_i32 : i32, i32
  }
}

module attributes {stable_mosaic.version = 14 : i64} {
  func.func @_mm_body(%arg0: i32, %arg1: memref<2048x131xf32, #tpu.memory_space<vmem>>, %arg2: memref<131x128xf32, #tpu.memory_space<vmem>>, %arg3: memref<1x128xf32, #tpu.memory_space<vmem>>, %arg4: memref<2048x128xf32, #tpu.memory_space<vmem>>, %arg5: memref<8x128xf32, #tpu.memory_space<vmem>>) attributes {dimension_semantics = [#tpu.dimension_semantics<arbitrary>], iteration_bounds = array<i64: 64>, scalar_prefetch = 0 : i64, scratch_operands = 0 : i64, tpu.core_type = #tpu.core_type<tc>, window_params = [{transform_indices = @transform_0, window_bounds = array<i64: 2048, 131>}, {pipeline_mode = #tpu.pipeline_mode<synchronous>, transform_indices = @transform_1, window_bounds = array<i64: 131, 128>}, {pipeline_mode = #tpu.pipeline_mode<synchronous>, transform_indices = @transform_2, window_bounds = array<i64: 1, 128>}, {transform_indices = @transform_3, window_bounds = array<i64: 2048, 128>}, {transform_indices = @transform_4, window_bounds = array<i64: 8, 128>}]} {
    %get3A = arith.constant 0 : index
    %get3A_0 = arith.constant 0 : index
    %get3A_1 = vector.load %arg1[%get3A, %get3A_0] : memref<2048x131xf32, #tpu.memory_space<vmem>>, vector<2048x131xf32>
    %get3A_2 = arith.constant 0 : index
    %get3A_3 = arith.constant 0 : index
    %get3A_4 = vector.load %arg2[%get3A_2, %get3A_3] : memref<131x128xf32, #tpu.memory_space<vmem>>, vector<131x128xf32>
    %dot_general3A = arith.constant dense<0.000000e+00> : vector<2048x128xf32>
    %dot_general3A_5 = tpu.matmul %get3A_1, %get3A_4, %dot_general3A {dimension_numbers = #tpu.dot_dimension_numbers<[1], [0], [0], [1], [0, 0, 1, 1], [], []>, transpose_lhs_hint = false} : vector<2048x131xf32>, vector<131x128xf32>, vector<2048x128xf32> -> vector<2048x128xf32>
    %get3A_6 = arith.constant 0 : index
    %get3A_7 = arith.constant 0 : index
    %get3A_8 = vector.load %arg3[%get3A_6, %get3A_7] : memref<1x128xf32, #tpu.memory_space<vmem>>, vector<1x128xf32>
    %add3A = vector.broadcast %get3A_8 : vector<1x128xf32> to vector<2048x128xf32>
    %add3A_9 = arith.addf %dot_general3A_5, %add3A : vector<2048x128xf32>
    %swap3A = arith.constant 0 : index
    %swap3A_10 = arith.constant 0 : index
    %swap3A_11 = vector.load %arg4[%swap3A, %swap3A_10] : memref<2048x128xf32, #tpu.memory_space<vmem>>, vector<2048x128xf32>
    tpu.vector_store %arg4[%swap3A, %swap3A_10], %add3A_9 {strides = array<i32>} : memref<2048x128xf32, #tpu.memory_space<vmem>>, vector<2048x128xf32>,
    %reduce_sum3A = arith.constant dense<0.000000e+00> : vector<128xf32>
    %reduce_sum3A_12 = vector.multi_reduction <add>, %add3A_9, %reduce_sum3A [0] : vector<2048x128xf32> to vector<128xf32>
    %broadcast_in_dim3A = vector.shape_cast %reduce_sum3A_12 : vector<128xf32> to vector<1x128xf32>
    %iota3A = tpu.iota {dimensions = array<i32: 0>} : vector<8x128xi32>
    %eq3A = arith.constant 0 : i32
    %eq3A_13 = vector.broadcast %eq3A : i32 to vector<8x128xi32>
    %eq3A_14 = arith.cmpi eq, %iota3A, %eq3A_13 : vector<8x128xi32>
    %broadcast_in_dim3A_15 = vector.shape_cast %broadcast_in_dim3A : vector<1x128xf32> to vector<1x128xf32>
    %broadcast_in_dim3A_16 = vector.broadcast %broadcast_in_dim3A_15 : vector<1x128xf32> to vector<8x128xf32>
    %jit3A = arith.constant 0.000000e+00 : f32
    %broadcast_in_dim3A_17 = vector.broadcast %jit3A : f32 to vector<8x128xf32>
    %select_n3A = arith.select %eq3A_14, %broadcast_in_dim3A_16, %broadcast_in_dim3A_17 : vector<8x128xi1>, vector<8x128xf32>
    %swap3A_18 = arith.constant 0 : index
    %swap3A_19 = arith.constant 0 : index
    %swap3A_20 = vector.load %arg5[%swap3A_18, %swap3A_19] : memref<8x128xf32, #tpu.memory_space<vmem>>, vector<8x128xf32>
    tpu.vector_store %arg5[%swap3A_18, %swap3A_19], %select_n3A {strides = array<i32>} : memref<8x128xf32, #tpu.memory_space<vmem>>, vector<8x128xf32>,
    return
  }
  func.func @transform_0(%arg0: i32) -> (i32, i32) {
    %c0_i32 = arith.constant 0 : i32
    %c0_i32_0 = arith.constant 0 : i32
    return %arg0, %c0_i32 : i32, i32
  }
  func.func @transform_1(%arg0: i32) -> (i32, i32) {
    %c0_i32 = arith.constant 0 : i32
    %c0_i32_0 = arith.constant 0 : i32
    %c0_i32_1 = arith.constant 0 : i32
    return %c0_i32, %c0_i32_0 : i32, i32
  }
  func.func @transform_2(%arg0: i32) -> (i32, i32) {
    %c0_i32 = arith.constant 0 : i32
    %c0_i32_0 = arith.constant 0 : i32
    %c0_i32_1 = arith.constant 0 : i32
    return %c0_i32, %c0_i32_0 : i32, i32
  }
  func.func @transform_3(%arg0: i32) -> (i32, i32) {
    %c0_i32 = arith.constant 0 : i32
    %c0_i32_0 = arith.constant 0 : i32
    return %arg0, %c0_i32 : i32, i32
  }
  func.func @transform_4(%arg0: i32) -> (i32, i32) {
    %c0_i32 = arith.constant 0 : i32
    %c0_i32_0 = arith.constant 0 : i32
    return %arg0, %c0_i32 : i32, i32
  }
}

module attributes {stable_mosaic.version = 14 : i64} {
  func.func @_ssq_body(%arg0: i32, %arg1: memref<2048x128xf32, #tpu.memory_space<vmem>>, %arg2: memref<512x128xf32, #tpu.memory_space<vmem>>, %arg3: memref<8x128xf32, #tpu.memory_space<vmem>>) attributes {dimension_semantics = [#tpu.dimension_semantics<arbitrary>], iteration_bounds = array<i64: 64>, scalar_prefetch = 0 : i64, scratch_operands = 0 : i64, tpu.core_type = #tpu.core_type<tc>, window_params = [{transform_indices = @transform_0, window_bounds = array<i64: 2048, 128>}, {pipeline_mode = #tpu.pipeline_mode<synchronous>, transform_indices = @transform_1, window_bounds = array<i64: 512, 128>}, {transform_indices = @transform_2, window_bounds = array<i64: 8, 128>}]} {
    %get3A = arith.constant 0 : index
    %get3A_0 = arith.constant 0 : index
    %get3A_1 = vector.load %arg2[%get3A, %get3A_0] : memref<512x128xf32, #tpu.memory_space<vmem>>, vector<512x128xf32>
    %reduce_sum3A = arith.constant dense<0.000000e+00> : vector<128xf32>
    %reduce_sum3A_2 = vector.multi_reduction <add>, %get3A_1, %reduce_sum3A [0] : vector<512x128xf32> to vector<128xf32>
    %broadcast_in_dim3A = vector.shape_cast %reduce_sum3A_2 : vector<128xf32> to vector<1x128xf32>
    %mul3A = arith.constant 7.62939453E-6 : f32
    %mul3A_3 = vector.broadcast %mul3A : f32 to vector<1x128xf32>
    %mul3A_4 = arith.mulf %broadcast_in_dim3A, %mul3A_3 : vector<1x128xf32>
    %get3A_5 = arith.constant 0 : index
    %get3A_6 = arith.constant 0 : index
    %get3A_7 = vector.load %arg1[%get3A_5, %get3A_6] : memref<2048x128xf32, #tpu.memory_space<vmem>>, vector<2048x128xf32>
    %sub3A = vector.broadcast %mul3A_4 : vector<1x128xf32> to vector<2048x128xf32>
    %sub3A_8 = arith.subf %get3A_7, %sub3A : vector<2048x128xf32>
    %mul3A_9 = arith.mulf %sub3A_8, %sub3A_8 : vector<2048x128xf32>
    %reduce_sum3A_10 = arith.constant dense<0.000000e+00> : vector<128xf32>
    %reduce_sum3A_11 = vector.multi_reduction <add>, %mul3A_9, %reduce_sum3A_10 [0] : vector<2048x128xf32> to vector<128xf32>
    %broadcast_in_dim3A_12 = vector.shape_cast %reduce_sum3A_11 : vector<128xf32> to vector<1x128xf32>
    %iota3A = tpu.iota {dimensions = array<i32: 0>} : vector<8x128xi32>
    %eq3A = arith.constant 0 : i32
    %eq3A_13 = vector.broadcast %eq3A : i32 to vector<8x128xi32>
    %eq3A_14 = arith.cmpi eq, %iota3A, %eq3A_13 : vector<8x128xi32>
    %broadcast_in_dim3A_15 = vector.shape_cast %broadcast_in_dim3A_12 : vector<1x128xf32> to vector<1x128xf32>
    %broadcast_in_dim3A_16 = vector.broadcast %broadcast_in_dim3A_15 : vector<1x128xf32> to vector<8x128xf32>
    %jit3A = arith.constant 0.000000e+00 : f32
    %broadcast_in_dim3A_17 = vector.broadcast %jit3A : f32 to vector<8x128xf32>
    %select_n3A = arith.select %eq3A_14, %broadcast_in_dim3A_16, %broadcast_in_dim3A_17 : vector<8x128xi1>, vector<8x128xf32>
    %swap3A = arith.constant 0 : index
    %swap3A_18 = arith.constant 0 : index
    %swap3A_19 = vector.load %arg3[%swap3A, %swap3A_18] : memref<8x128xf32, #tpu.memory_space<vmem>>, vector<8x128xf32>
    tpu.vector_store %arg3[%swap3A, %swap3A_18], %select_n3A {strides = array<i32>} : memref<8x128xf32, #tpu.memory_space<vmem>>, vector<8x128xf32>,
    return
  }
  func.func @transform_0(%arg0: i32) -> (i32, i32) {
    %c0_i32 = arith.constant 0 : i32
    %c0_i32_0 = arith.constant 0 : i32
    return %arg0, %c0_i32 : i32, i32
  }
  func.func @transform_1(%arg0: i32) -> (i32, i32) {
    %c0_i32 = arith.constant 0 : i32
    %c0_i32_0 = arith.constant 0 : i32
    %c0_i32_1 = arith.constant 0 : i32
    return %c0_i32, %c0_i32_0 : i32, i32
  }
  func.func @transform_2(%arg0: i32) -> (i32, i32) {
    %c0_i32 = arith.constant 0 : i32
    %c0_i32_0 = arith.constant 0 : i32
    return %arg0, %c0_i32 : i32, i32
  }
}

module attributes {stable_mosaic.version = 14 : i64} {
  func.func @_bn_mm_body(%arg0: i32, %arg1: memref<2048x128xf32, #tpu.memory_space<vmem>>, %arg2: memref<512x128xf32, #tpu.memory_space<vmem>>, %arg3: memref<512x128xf32, #tpu.memory_space<vmem>>, %arg4: memref<1x128xf32, #tpu.memory_space<vmem>>, %arg5: memref<1x128xf32, #tpu.memory_space<vmem>>, %arg6: memref<128x128xf32, #tpu.memory_space<vmem>>, %arg7: memref<1x128xf32, #tpu.memory_space<vmem>>, %arg8: memref<2048x128xf32, #tpu.memory_space<vmem>>, %arg9: memref<8x128xf32, #tpu.memory_space<vmem>>) attributes {dimension_semantics = [#tpu.dimension_semantics<arbitrary>], iteration_bounds = array<i64: 64>, scalar_prefetch = 0 : i64, scratch_operands = 0 : i64, tpu.core_type = #tpu.core_type<tc>, window_params = [{transform_indices = @transform_0, window_bounds = array<i64: 2048, 128>}, {pipeline_mode = #tpu.pipeline_mode<synchronous>, transform_indices = @transform_1, window_bounds = array<i64: 512, 128>}, {pipeline_mode = #tpu.pipeline_mode<synchronous>, transform_indices = @transform_2, window_bounds = array<i64: 512, 128>}, {pipeline_mode = #tpu.pipeline_mode<synchronous>, transform_indices = @transform_3, window_bounds = array<i64: 1, 128>}, {pipeline_mode = #tpu.pipeline_mode<synchronous>, transform_indices = @transform_4, window_bounds = array<i64: 1, 128>}, {pipeline_mode = #tpu.pipeline_mode<synchronous>, transform_indices = @transform_5, window_bounds = array<i64: 128, 128>}, {pipeline_mode = #tpu.pipeline_mode<synchronous>, transform_indices = @transform_6, window_bounds = array<i64: 1, 128>}, {transform_indices = @transform_7, window_bounds = array<i64: 2048, 128>}, {transform_indices = @transform_8, window_bounds = array<i64: 8, 128>}]} {
    %get3A = arith.constant 0 : index
    %get3A_0 = arith.constant 0 : index
    %get3A_1 = vector.load %arg1[%get3A, %get3A_0] : memref<2048x128xf32, #tpu.memory_space<vmem>>, vector<2048x128xf32>
    %get3A_2 = arith.constant 0 : index
    %get3A_3 = arith.constant 0 : index
    %get3A_4 = vector.load %arg2[%get3A_2, %get3A_3] : memref<512x128xf32, #tpu.memory_space<vmem>>, vector<512x128xf32>
    %reduce_sum3A = arith.constant dense<0.000000e+00> : vector<128xf32>
    %reduce_sum3A_5 = vector.multi_reduction <add>, %get3A_4, %reduce_sum3A [0] : vector<512x128xf32> to vector<128xf32>
    %broadcast_in_dim3A = vector.shape_cast %reduce_sum3A_5 : vector<128xf32> to vector<1x128xf32>
    %mul3A = arith.constant 7.62939453E-6 : f32
    %mul3A_6 = vector.broadcast %mul3A : f32 to vector<1x128xf32>
    %mul3A_7 = arith.mulf %broadcast_in_dim3A, %mul3A_6 : vector<1x128xf32>
    %get3A_8 = arith.constant 0 : index
    %get3A_9 = arith.constant 0 : index
    %get3A_10 = vector.load %arg3[%get3A_8, %get3A_9] : memref<512x128xf32, #tpu.memory_space<vmem>>, vector<512x128xf32>
    %reduce_sum3A_11 = arith.constant dense<0.000000e+00> : vector<128xf32>
    %reduce_sum3A_12 = vector.multi_reduction <add>, %get3A_10, %reduce_sum3A_11 [0] : vector<512x128xf32> to vector<128xf32>
    %broadcast_in_dim3A_13 = vector.shape_cast %reduce_sum3A_12 : vector<128xf32> to vector<1x128xf32>
    %mul3A_14 = arith.constant 7.62939453E-6 : f32
    %mul3A_15 = vector.broadcast %mul3A_14 : f32 to vector<1x128xf32>
    %mul3A_16 = arith.mulf %broadcast_in_dim3A_13, %mul3A_15 : vector<1x128xf32>
    %sub3A = vector.broadcast %mul3A_7 : vector<1x128xf32> to vector<2048x128xf32>
    %sub3A_17 = arith.subf %get3A_1, %sub3A : vector<2048x128xf32>
    %add3A = arith.constant 9.99999974E-6 : f32
    %add3A_18 = vector.broadcast %add3A : f32 to vector<1x128xf32>
    %add3A_19 = arith.addf %mul3A_16, %add3A_18 : vector<1x128xf32>
    %sqrt3A = math.sqrt %add3A_19 : vector<1x128xf32>
    %div3A = vector.broadcast %sqrt3A : vector<1x128xf32> to vector<2048x128xf32>
    %div3A_20 = arith.divf %sub3A_17, %div3A : vector<2048x128xf32>
    %get3A_21 = arith.constant 0 : index
    %get3A_22 = arith.constant 0 : index
    %get3A_23 = vector.load %arg4[%get3A_21, %get3A_22] : memref<1x128xf32, #tpu.memory_space<vmem>>, vector<1x128xf32>
    %mul3A_24 = vector.broadcast %get3A_23 : vector<1x128xf32> to vector<2048x128xf32>
    %mul3A_25 = arith.mulf %div3A_20, %mul3A_24 : vector<2048x128xf32>
    %get3A_26 = arith.constant 0 : index
    %get3A_27 = arith.constant 0 : index
    %get3A_28 = vector.load %arg5[%get3A_26, %get3A_27] : memref<1x128xf32, #tpu.memory_space<vmem>>, vector<1x128xf32>
    %add3A_29 = vector.broadcast %get3A_28 : vector<1x128xf32> to vector<2048x128xf32>
    %add3A_30 = arith.addf %mul3A_25, %add3A_29 : vector<2048x128xf32>
    %max3A = arith.constant 0.000000e+00 : f32
    %max3A_31 = vector.broadcast %max3A : f32 to vector<2048x128xf32>
    %max3A_32 = arith.maximumf %add3A_30, %max3A_31 : vector<2048x128xf32>
    %get3A_33 = arith.constant 0 : index
    %get3A_34 = arith.constant 0 : index
    %get3A_35 = vector.load %arg6[%get3A_33, %get3A_34] : memref<128x128xf32, #tpu.memory_space<vmem>>, vector<128x128xf32>
    %dot_general3A = arith.constant dense<0.000000e+00> : vector<2048x128xf32>
    %dot_general3A_36 = tpu.matmul %max3A_32, %get3A_35, %dot_general3A {dimension_numbers = #tpu.dot_dimension_numbers<[1], [0], [0], [1], [0, 0, 1, 1], [], []>, transpose_lhs_hint = false} : vector<2048x128xf32>, vector<128x128xf32>, vector<2048x128xf32> -> vector<2048x128xf32>
    %get3A_37 = arith.constant 0 : index
    %get3A_38 = arith.constant 0 : index
    %get3A_39 = vector.load %arg7[%get3A_37, %get3A_38] : memref<1x128xf32, #tpu.memory_space<vmem>>, vector<1x128xf32>
    %add3A_40 = vector.broadcast %get3A_39 : vector<1x128xf32> to vector<2048x128xf32>
    %add3A_41 = arith.addf %dot_general3A_36, %add3A_40 : vector<2048x128xf32>
    %swap3A = arith.constant 0 : index
    %swap3A_42 = arith.constant 0 : index
    %swap3A_43 = vector.load %arg8[%swap3A, %swap3A_42] : memref<2048x128xf32, #tpu.memory_space<vmem>>, vector<2048x128xf32>
    tpu.vector_store %arg8[%swap3A, %swap3A_42], %add3A_41 {strides = array<i32>} : memref<2048x128xf32, #tpu.memory_space<vmem>>, vector<2048x128xf32>,
    %reduce_sum3A_44 = arith.constant dense<0.000000e+00> : vector<128xf32>
    %reduce_sum3A_45 = vector.multi_reduction <add>, %add3A_41, %reduce_sum3A_44 [0] : vector<2048x128xf32> to vector<128xf32>
    %broadcast_in_dim3A_46 = vector.shape_cast %reduce_sum3A_45 : vector<128xf32> to vector<1x128xf32>
    %iota3A = tpu.iota {dimensions = array<i32: 0>} : vector<8x128xi32>
    %eq3A = arith.constant 0 : i32
    %eq3A_47 = vector.broadcast %eq3A : i32 to vector<8x128xi32>
    %eq3A_48 = arith.cmpi eq, %iota3A, %eq3A_47 : vector<8x128xi32>
    %broadcast_in_dim3A_49 = vector.shape_cast %broadcast_in_dim3A_46 : vector<1x128xf32> to vector<1x128xf32>
    %broadcast_in_dim3A_50 = vector.broadcast %broadcast_in_dim3A_49 : vector<1x128xf32> to vector<8x128xf32>
    %jit3A = arith.constant 0.000000e+00 : f32
    %broadcast_in_dim3A_51 = vector.broadcast %jit3A : f32 to vector<8x128xf32>
    %select_n3A = arith.select %eq3A_48, %broadcast_in_dim3A_50, %broadcast_in_dim3A_51 : vector<8x128xi1>, vector<8x128xf32>
    %swap3A_52 = arith.constant 0 : index
    %swap3A_53 = arith.constant 0 : index
    %swap3A_54 = vector.load %arg9[%swap3A_52, %swap3A_53] : memref<8x128xf32, #tpu.memory_space<vmem>>, vector<8x128xf32>
    tpu.vector_store %arg9[%swap3A_52, %swap3A_53], %select_n3A {strides = array<i32>} : memref<8x128xf32, #tpu.memory_space<vmem>>, vector<8x128xf32>,
    return
  }
  func.func @transform_0(%arg0: i32) -> (i32, i32) {
    %c0_i32 = arith.constant 0 : i32
    %c0_i32_0 = arith.constant 0 : i32
    return %arg0, %c0_i32 : i32, i32
  }
  func.func @transform_1(%arg0: i32) -> (i32, i32) {
    %c0_i32 = arith.constant 0 : i32
    %c0_i32_0 = arith.constant 0 : i32
    %c0_i32_1 = arith.constant 0 : i32
    return %c0_i32, %c0_i32_0 : i32, i32
  }
  func.func @transform_2(%arg0: i32) -> (i32, i32) {
    %c0_i32 = arith.constant 0 : i32
    %c0_i32_0 = arith.constant 0 : i32
    %c0_i32_1 = arith.constant 0 : i32
    return %c0_i32, %c0_i32_0 : i32, i32
  }
  func.func @transform_3(%arg0: i32) -> (i32, i32) {
    %c0_i32 = arith.constant 0 : i32
    %c0_i32_0 = arith.constant 0 : i32
    %c0_i32_1 = arith.constant 0 : i32
    return %c0_i32, %c0_i32_0 : i32, i32
  }
  func.func @transform_4(%arg0: i32) -> (i32, i32) {
    %c0_i32 = arith.constant 0 : i32
    %c0_i32_0 = arith.constant 0 : i32
    %c0_i32_1 = arith.constant 0 : i32
    return %c0_i32, %c0_i32_0 : i32, i32
  }
  func.func @transform_5(%arg0: i32) -> (i32, i32) {
    %c0_i32 = arith.constant 0 : i32
    %c0_i32_0 = arith.constant 0 : i32
    %c0_i32_1 = arith.constant 0 : i32
    return %c0_i32, %c0_i32_0 : i32, i32
  }
  func.func @transform_6(%arg0: i32) -> (i32, i32) {
    %c0_i32 = arith.constant 0 : i32
    %c0_i32_0 = arith.constant 0 : i32
    %c0_i32_1 = arith.constant 0 : i32
    return %c0_i32, %c0_i32_0 : i32, i32
  }
  func.func @transform_7(%arg0: i32) -> (i32, i32) {
    %c0_i32 = arith.constant 0 : i32
    %c0_i32_0 = arith.constant 0 : i32
    return %arg0, %c0_i32 : i32, i32
  }
  func.func @transform_8(%arg0: i32) -> (i32, i32) {
    %c0_i32 = arith.constant 0 : i32
    %c0_i32_0 = arith.constant 0 : i32
    return %arg0, %c0_i32 : i32, i32
  }
}

module attributes {stable_mosaic.version = 14 : i64} {
  func.func @_bn_mm_body(%arg0: i32, %arg1: memref<2048x128xf32, #tpu.memory_space<vmem>>, %arg2: memref<512x128xf32, #tpu.memory_space<vmem>>, %arg3: memref<512x128xf32, #tpu.memory_space<vmem>>, %arg4: memref<1x128xf32, #tpu.memory_space<vmem>>, %arg5: memref<1x128xf32, #tpu.memory_space<vmem>>, %arg6: memref<128x256xf32, #tpu.memory_space<vmem>>, %arg7: memref<1x256xf32, #tpu.memory_space<vmem>>, %arg8: memref<2048x256xf32, #tpu.memory_space<vmem>>, %arg9: memref<8x256xf32, #tpu.memory_space<vmem>>) attributes {dimension_semantics = [#tpu.dimension_semantics<arbitrary>], iteration_bounds = array<i64: 64>, scalar_prefetch = 0 : i64, scratch_operands = 0 : i64, tpu.core_type = #tpu.core_type<tc>, window_params = [{transform_indices = @transform_0, window_bounds = array<i64: 2048, 128>}, {pipeline_mode = #tpu.pipeline_mode<synchronous>, transform_indices = @transform_1, window_bounds = array<i64: 512, 128>}, {pipeline_mode = #tpu.pipeline_mode<synchronous>, transform_indices = @transform_2, window_bounds = array<i64: 512, 128>}, {pipeline_mode = #tpu.pipeline_mode<synchronous>, transform_indices = @transform_3, window_bounds = array<i64: 1, 128>}, {pipeline_mode = #tpu.pipeline_mode<synchronous>, transform_indices = @transform_4, window_bounds = array<i64: 1, 128>}, {pipeline_mode = #tpu.pipeline_mode<synchronous>, transform_indices = @transform_5, window_bounds = array<i64: 128, 256>}, {pipeline_mode = #tpu.pipeline_mode<synchronous>, transform_indices = @transform_6, window_bounds = array<i64: 1, 256>}, {transform_indices = @transform_7, window_bounds = array<i64: 2048, 256>}, {transform_indices = @transform_8, window_bounds = array<i64: 8, 256>}]} {
    %get3A = arith.constant 0 : index
    %get3A_0 = arith.constant 0 : index
    %get3A_1 = vector.load %arg1[%get3A, %get3A_0] : memref<2048x128xf32, #tpu.memory_space<vmem>>, vector<2048x128xf32>
    %get3A_2 = arith.constant 0 : index
    %get3A_3 = arith.constant 0 : index
    %get3A_4 = vector.load %arg2[%get3A_2, %get3A_3] : memref<512x128xf32, #tpu.memory_space<vmem>>, vector<512x128xf32>
    %reduce_sum3A = arith.constant dense<0.000000e+00> : vector<128xf32>
    %reduce_sum3A_5 = vector.multi_reduction <add>, %get3A_4, %reduce_sum3A [0] : vector<512x128xf32> to vector<128xf32>
    %broadcast_in_dim3A = vector.shape_cast %reduce_sum3A_5 : vector<128xf32> to vector<1x128xf32>
    %mul3A = arith.constant 7.62939453E-6 : f32
    %mul3A_6 = vector.broadcast %mul3A : f32 to vector<1x128xf32>
    %mul3A_7 = arith.mulf %broadcast_in_dim3A, %mul3A_6 : vector<1x128xf32>
    %get3A_8 = arith.constant 0 : index
    %get3A_9 = arith.constant 0 : index
    %get3A_10 = vector.load %arg3[%get3A_8, %get3A_9] : memref<512x128xf32, #tpu.memory_space<vmem>>, vector<512x128xf32>
    %reduce_sum3A_11 = arith.constant dense<0.000000e+00> : vector<128xf32>
    %reduce_sum3A_12 = vector.multi_reduction <add>, %get3A_10, %reduce_sum3A_11 [0] : vector<512x128xf32> to vector<128xf32>
    %broadcast_in_dim3A_13 = vector.shape_cast %reduce_sum3A_12 : vector<128xf32> to vector<1x128xf32>
    %mul3A_14 = arith.constant 7.62939453E-6 : f32
    %mul3A_15 = vector.broadcast %mul3A_14 : f32 to vector<1x128xf32>
    %mul3A_16 = arith.mulf %broadcast_in_dim3A_13, %mul3A_15 : vector<1x128xf32>
    %sub3A = vector.broadcast %mul3A_7 : vector<1x128xf32> to vector<2048x128xf32>
    %sub3A_17 = arith.subf %get3A_1, %sub3A : vector<2048x128xf32>
    %add3A = arith.constant 9.99999974E-6 : f32
    %add3A_18 = vector.broadcast %add3A : f32 to vector<1x128xf32>
    %add3A_19 = arith.addf %mul3A_16, %add3A_18 : vector<1x128xf32>
    %sqrt3A = math.sqrt %add3A_19 : vector<1x128xf32>
    %div3A = vector.broadcast %sqrt3A : vector<1x128xf32> to vector<2048x128xf32>
    %div3A_20 = arith.divf %sub3A_17, %div3A : vector<2048x128xf32>
    %get3A_21 = arith.constant 0 : index
    %get3A_22 = arith.constant 0 : index
    %get3A_23 = vector.load %arg4[%get3A_21, %get3A_22] : memref<1x128xf32, #tpu.memory_space<vmem>>, vector<1x128xf32>
    %mul3A_24 = vector.broadcast %get3A_23 : vector<1x128xf32> to vector<2048x128xf32>
    %mul3A_25 = arith.mulf %div3A_20, %mul3A_24 : vector<2048x128xf32>
    %get3A_26 = arith.constant 0 : index
    %get3A_27 = arith.constant 0 : index
    %get3A_28 = vector.load %arg5[%get3A_26, %get3A_27] : memref<1x128xf32, #tpu.memory_space<vmem>>, vector<1x128xf32>
    %add3A_29 = vector.broadcast %get3A_28 : vector<1x128xf32> to vector<2048x128xf32>
    %add3A_30 = arith.addf %mul3A_25, %add3A_29 : vector<2048x128xf32>
    %max3A = arith.constant 0.000000e+00 : f32
    %max3A_31 = vector.broadcast %max3A : f32 to vector<2048x128xf32>
    %max3A_32 = arith.maximumf %add3A_30, %max3A_31 : vector<2048x128xf32>
    %get3A_33 = arith.constant 0 : index
    %get3A_34 = arith.constant 0 : index
    %get3A_35 = vector.load %arg6[%get3A_33, %get3A_34] : memref<128x256xf32, #tpu.memory_space<vmem>>, vector<128x256xf32>
    %dot_general3A = arith.constant dense<0.000000e+00> : vector<2048x256xf32>
    %dot_general3A_36 = tpu.matmul %max3A_32, %get3A_35, %dot_general3A {dimension_numbers = #tpu.dot_dimension_numbers<[1], [0], [0], [1], [0, 0, 1, 1], [], []>, transpose_lhs_hint = false} : vector<2048x128xf32>, vector<128x256xf32>, vector<2048x256xf32> -> vector<2048x256xf32>
    %get3A_37 = arith.constant 0 : index
    %get3A_38 = arith.constant 0 : index
    %get3A_39 = vector.load %arg7[%get3A_37, %get3A_38] : memref<1x256xf32, #tpu.memory_space<vmem>>, vector<1x256xf32>
    %add3A_40 = vector.broadcast %get3A_39 : vector<1x256xf32> to vector<2048x256xf32>
    %add3A_41 = arith.addf %dot_general3A_36, %add3A_40 : vector<2048x256xf32>
    %swap3A = arith.constant 0 : index
    %swap3A_42 = arith.constant 0 : index
    %swap3A_43 = vector.load %arg8[%swap3A, %swap3A_42] : memref<2048x256xf32, #tpu.memory_space<vmem>>, vector<2048x256xf32>
    tpu.vector_store %arg8[%swap3A, %swap3A_42], %add3A_41 {strides = array<i32>} : memref<2048x256xf32, #tpu.memory_space<vmem>>, vector<2048x256xf32>,
    %reduce_sum3A_44 = arith.constant dense<0.000000e+00> : vector<256xf32>
    %reduce_sum3A_45 = vector.multi_reduction <add>, %add3A_41, %reduce_sum3A_44 [0] : vector<2048x256xf32> to vector<256xf32>
    %broadcast_in_dim3A_46 = vector.shape_cast %reduce_sum3A_45 : vector<256xf32> to vector<1x256xf32>
    %iota3A = tpu.iota {dimensions = array<i32: 0>} : vector<8x256xi32>
    %eq3A = arith.constant 0 : i32
    %eq3A_47 = vector.broadcast %eq3A : i32 to vector<8x256xi32>
    %eq3A_48 = arith.cmpi eq, %iota3A, %eq3A_47 : vector<8x256xi32>
    %broadcast_in_dim3A_49 = vector.shape_cast %broadcast_in_dim3A_46 : vector<1x256xf32> to vector<1x256xf32>
    %broadcast_in_dim3A_50 = vector.broadcast %broadcast_in_dim3A_49 : vector<1x256xf32> to vector<8x256xf32>
    %jit3A = arith.constant 0.000000e+00 : f32
    %broadcast_in_dim3A_51 = vector.broadcast %jit3A : f32 to vector<8x256xf32>
    %select_n3A = arith.select %eq3A_48, %broadcast_in_dim3A_50, %broadcast_in_dim3A_51 : vector<8x256xi1>, vector<8x256xf32>
    %swap3A_52 = arith.constant 0 : index
    %swap3A_53 = arith.constant 0 : index
    %swap3A_54 = vector.load %arg9[%swap3A_52, %swap3A_53] : memref<8x256xf32, #tpu.memory_space<vmem>>, vector<8x256xf32>
    tpu.vector_store %arg9[%swap3A_52, %swap3A_53], %select_n3A {strides = array<i32>} : memref<8x256xf32, #tpu.memory_space<vmem>>, vector<8x256xf32>,
    return
  }
  func.func @transform_0(%arg0: i32) -> (i32, i32) {
    %c0_i32 = arith.constant 0 : i32
    %c0_i32_0 = arith.constant 0 : i32
    return %arg0, %c0_i32 : i32, i32
  }
  func.func @transform_1(%arg0: i32) -> (i32, i32) {
    %c0_i32 = arith.constant 0 : i32
    %c0_i32_0 = arith.constant 0 : i32
    %c0_i32_1 = arith.constant 0 : i32
    return %c0_i32, %c0_i32_0 : i32, i32
  }
  func.func @transform_2(%arg0: i32) -> (i32, i32) {
    %c0_i32 = arith.constant 0 : i32
    %c0_i32_0 = arith.constant 0 : i32
    %c0_i32_1 = arith.constant 0 : i32
    return %c0_i32, %c0_i32_0 : i32, i32
  }
  func.func @transform_3(%arg0: i32) -> (i32, i32) {
    %c0_i32 = arith.constant 0 : i32
    %c0_i32_0 = arith.constant 0 : i32
    %c0_i32_1 = arith.constant 0 : i32
    return %c0_i32, %c0_i32_0 : i32, i32
  }
  func.func @transform_4(%arg0: i32) -> (i32, i32) {
    %c0_i32 = arith.constant 0 : i32
    %c0_i32_0 = arith.constant 0 : i32
    %c0_i32_1 = arith.constant 0 : i32
    return %c0_i32, %c0_i32_0 : i32, i32
  }
  func.func @transform_5(%arg0: i32) -> (i32, i32) {
    %c0_i32 = arith.constant 0 : i32
    %c0_i32_0 = arith.constant 0 : i32
    %c0_i32_1 = arith.constant 0 : i32
    return %c0_i32, %c0_i32_0 : i32, i32
  }
  func.func @transform_6(%arg0: i32) -> (i32, i32) {
    %c0_i32 = arith.constant 0 : i32
    %c0_i32_0 = arith.constant 0 : i32
    %c0_i32_1 = arith.constant 0 : i32
    return %c0_i32, %c0_i32_0 : i32, i32
  }
  func.func @transform_7(%arg0: i32) -> (i32, i32) {
    %c0_i32 = arith.constant 0 : i32
    %c0_i32_0 = arith.constant 0 : i32
    return %arg0, %c0_i32 : i32, i32
  }
  func.func @transform_8(%arg0: i32) -> (i32, i32) {
    %c0_i32 = arith.constant 0 : i32
    %c0_i32_0 = arith.constant 0 : i32
    return %arg0, %c0_i32 : i32, i32
  }
}

module attributes {stable_mosaic.version = 14 : i64} {
  func.func @_ssq_body(%arg0: i32, %arg1: memref<2048x256xf32, #tpu.memory_space<vmem>>, %arg2: memref<512x256xf32, #tpu.memory_space<vmem>>, %arg3: memref<8x256xf32, #tpu.memory_space<vmem>>) attributes {dimension_semantics = [#tpu.dimension_semantics<arbitrary>], iteration_bounds = array<i64: 64>, scalar_prefetch = 0 : i64, scratch_operands = 0 : i64, tpu.core_type = #tpu.core_type<tc>, window_params = [{transform_indices = @transform_0, window_bounds = array<i64: 2048, 256>}, {pipeline_mode = #tpu.pipeline_mode<synchronous>, transform_indices = @transform_1, window_bounds = array<i64: 512, 256>}, {transform_indices = @transform_2, window_bounds = array<i64: 8, 256>}]} {
    %get3A = arith.constant 0 : index
    %get3A_0 = arith.constant 0 : index
    %get3A_1 = vector.load %arg2[%get3A, %get3A_0] : memref<512x256xf32, #tpu.memory_space<vmem>>, vector<512x256xf32>
    %reduce_sum3A = arith.constant dense<0.000000e+00> : vector<256xf32>
    %reduce_sum3A_2 = vector.multi_reduction <add>, %get3A_1, %reduce_sum3A [0] : vector<512x256xf32> to vector<256xf32>
    %broadcast_in_dim3A = vector.shape_cast %reduce_sum3A_2 : vector<256xf32> to vector<1x256xf32>
    %mul3A = arith.constant 7.62939453E-6 : f32
    %mul3A_3 = vector.broadcast %mul3A : f32 to vector<1x256xf32>
    %mul3A_4 = arith.mulf %broadcast_in_dim3A, %mul3A_3 : vector<1x256xf32>
    %get3A_5 = arith.constant 0 : index
    %get3A_6 = arith.constant 0 : index
    %get3A_7 = vector.load %arg1[%get3A_5, %get3A_6] : memref<2048x256xf32, #tpu.memory_space<vmem>>, vector<2048x256xf32>
    %sub3A = vector.broadcast %mul3A_4 : vector<1x256xf32> to vector<2048x256xf32>
    %sub3A_8 = arith.subf %get3A_7, %sub3A : vector<2048x256xf32>
    %mul3A_9 = arith.mulf %sub3A_8, %sub3A_8 : vector<2048x256xf32>
    %reduce_sum3A_10 = arith.constant dense<0.000000e+00> : vector<256xf32>
    %reduce_sum3A_11 = vector.multi_reduction <add>, %mul3A_9, %reduce_sum3A_10 [0] : vector<2048x256xf32> to vector<256xf32>
    %broadcast_in_dim3A_12 = vector.shape_cast %reduce_sum3A_11 : vector<256xf32> to vector<1x256xf32>
    %iota3A = tpu.iota {dimensions = array<i32: 0>} : vector<8x256xi32>
    %eq3A = arith.constant 0 : i32
    %eq3A_13 = vector.broadcast %eq3A : i32 to vector<8x256xi32>
    %eq3A_14 = arith.cmpi eq, %iota3A, %eq3A_13 : vector<8x256xi32>
    %broadcast_in_dim3A_15 = vector.shape_cast %broadcast_in_dim3A_12 : vector<1x256xf32> to vector<1x256xf32>
    %broadcast_in_dim3A_16 = vector.broadcast %broadcast_in_dim3A_15 : vector<1x256xf32> to vector<8x256xf32>
    %jit3A = arith.constant 0.000000e+00 : f32
    %broadcast_in_dim3A_17 = vector.broadcast %jit3A : f32 to vector<8x256xf32>
    %select_n3A = arith.select %eq3A_14, %broadcast_in_dim3A_16, %broadcast_in_dim3A_17 : vector<8x256xi1>, vector<8x256xf32>
    %swap3A = arith.constant 0 : index
    %swap3A_18 = arith.constant 0 : index
    %swap3A_19 = vector.load %arg3[%swap3A, %swap3A_18] : memref<8x256xf32, #tpu.memory_space<vmem>>, vector<8x256xf32>
    tpu.vector_store %arg3[%swap3A, %swap3A_18], %select_n3A {strides = array<i32>} : memref<8x256xf32, #tpu.memory_space<vmem>>, vector<8x256xf32>,
    return
  }
  func.func @transform_0(%arg0: i32) -> (i32, i32) {
    %c0_i32 = arith.constant 0 : i32
    %c0_i32_0 = arith.constant 0 : i32
    return %arg0, %c0_i32 : i32, i32
  }
  func.func @transform_1(%arg0: i32) -> (i32, i32) {
    %c0_i32 = arith.constant 0 : i32
    %c0_i32_0 = arith.constant 0 : i32
    %c0_i32_1 = arith.constant 0 : i32
    return %c0_i32, %c0_i32_0 : i32, i32
  }
  func.func @transform_2(%arg0: i32) -> (i32, i32) {
    %c0_i32 = arith.constant 0 : i32
    %c0_i32_0 = arith.constant 0 : i32
    return %arg0, %c0_i32 : i32, i32
  }
}

module attributes {stable_mosaic.version = 14 : i64} {
  func.func @_bn_pool_body(%arg0: i32, %arg1: memref<2048x256xf32, #tpu.memory_space<vmem>>, %arg2: memref<512x256xf32, #tpu.memory_space<vmem>>, %arg3: memref<512x256xf32, #tpu.memory_space<vmem>>, %arg4: memref<1x256xf32, #tpu.memory_space<vmem>>, %arg5: memref<1x256xf32, #tpu.memory_space<vmem>>, %arg6: memref<32x256xf32, #tpu.memory_space<vmem>>) attributes {dimension_semantics = [#tpu.dimension_semantics<arbitrary>], iteration_bounds = array<i64: 64>, scalar_prefetch = 0 : i64, scratch_operands = 0 : i64, tpu.core_type = #tpu.core_type<tc>, window_params = [{transform_indices = @transform_0, window_bounds = array<i64: 2048, 256>}, {pipeline_mode = #tpu.pipeline_mode<synchronous>, transform_indices = @transform_1, window_bounds = array<i64: 512, 256>}, {pipeline_mode = #tpu.pipeline_mode<synchronous>, transform_indices = @transform_2, window_bounds = array<i64: 512, 256>}, {pipeline_mode = #tpu.pipeline_mode<synchronous>, transform_indices = @transform_3, window_bounds = array<i64: 1, 256>}, {pipeline_mode = #tpu.pipeline_mode<synchronous>, transform_indices = @transform_4, window_bounds = array<i64: 1, 256>}, {transform_indices = @transform_5, window_bounds = array<i64: 32, 256>}]} {
    %get3A = arith.constant 0 : index
    %get3A_0 = arith.constant 0 : index
    %get3A_1 = vector.load %arg1[%get3A, %get3A_0] : memref<2048x256xf32, #tpu.memory_space<vmem>>, vector<2048x256xf32>
    %get3A_2 = arith.constant 0 : index
    %get3A_3 = arith.constant 0 : index
    %get3A_4 = vector.load %arg2[%get3A_2, %get3A_3] : memref<512x256xf32, #tpu.memory_space<vmem>>, vector<512x256xf32>
    %reduce_sum3A = arith.constant dense<0.000000e+00> : vector<256xf32>
    %reduce_sum3A_5 = vector.multi_reduction <add>, %get3A_4, %reduce_sum3A [0] : vector<512x256xf32> to vector<256xf32>
    %broadcast_in_dim3A = vector.shape_cast %reduce_sum3A_5 : vector<256xf32> to vector<1x256xf32>
    %mul3A = arith.constant 7.62939453E-6 : f32
    %mul3A_6 = vector.broadcast %mul3A : f32 to vector<1x256xf32>
    %mul3A_7 = arith.mulf %broadcast_in_dim3A, %mul3A_6 : vector<1x256xf32>
    %get3A_8 = arith.constant 0 : index
    %get3A_9 = arith.constant 0 : index
    %get3A_10 = vector.load %arg3[%get3A_8, %get3A_9] : memref<512x256xf32, #tpu.memory_space<vmem>>, vector<512x256xf32>
    %reduce_sum3A_11 = arith.constant dense<0.000000e+00> : vector<256xf32>
    %reduce_sum3A_12 = vector.multi_reduction <add>, %get3A_10, %reduce_sum3A_11 [0] : vector<512x256xf32> to vector<256xf32>
    %broadcast_in_dim3A_13 = vector.shape_cast %reduce_sum3A_12 : vector<256xf32> to vector<1x256xf32>
    %mul3A_14 = arith.constant 7.62939453E-6 : f32
    %mul3A_15 = vector.broadcast %mul3A_14 : f32 to vector<1x256xf32>
    %mul3A_16 = arith.mulf %broadcast_in_dim3A_13, %mul3A_15 : vector<1x256xf32>
    %sub3A = vector.broadcast %mul3A_7 : vector<1x256xf32> to vector<2048x256xf32>
    %sub3A_17 = arith.subf %get3A_1, %sub3A : vector<2048x256xf32>
    %add3A = arith.constant 9.99999974E-6 : f32
    %add3A_18 = vector.broadcast %add3A : f32 to vector<1x256xf32>
    %add3A_19 = arith.addf %mul3A_16, %add3A_18 : vector<1x256xf32>
    %sqrt3A = math.sqrt %add3A_19 : vector<1x256xf32>
    %div3A = vector.broadcast %sqrt3A : vector<1x256xf32> to vector<2048x256xf32>
    %div3A_20 = arith.divf %sub3A_17, %div3A : vector<2048x256xf32>
    %get3A_21 = arith.constant 0 : index
    %get3A_22 = arith.constant 0 : index
    %get3A_23 = vector.load %arg4[%get3A_21, %get3A_22] : memref<1x256xf32, #tpu.memory_space<vmem>>, vector<1x256xf32>
    %mul3A_24 = vector.broadcast %get3A_23 : vector<1x256xf32> to vector<2048x256xf32>
    %mul3A_25 = arith.mulf %div3A_20, %mul3A_24 : vector<2048x256xf32>
    %get3A_26 = arith.constant 0 : index
    %get3A_27 = arith.constant 0 : index
    %get3A_28 = vector.load %arg5[%get3A_26, %get3A_27] : memref<1x256xf32, #tpu.memory_space<vmem>>, vector<1x256xf32>
    %add3A_29 = vector.broadcast %get3A_28 : vector<1x256xf32> to vector<2048x256xf32>
    %add3A_30 = arith.addf %mul3A_25, %add3A_29 : vector<2048x256xf32>
    %max3A = arith.constant 0.000000e+00 : f32
    %max3A_31 = vector.broadcast %max3A : f32 to vector<2048x256xf32>
    %max3A_32 = arith.maximumf %add3A_30, %max3A_31 : vector<2048x256xf32>
    %reshape3A = vector.shape_cast %max3A_32 : vector<2048x256xf32> to vector<32x64x256xf32>
    %reduce_max3A = arith.constant dense<0xFF800000> : vector<32x256xf32>
    %reduce_max3A_33 = vector.multi_reduction <maximumf>, %reshape3A, %reduce_max3A [1] : vector<32x64x256xf32> to vector<32x256xf32>
    %swap3A = arith.constant 0 : index
    %swap3A_34 = arith.constant 0 : index
    %swap3A_35 = vector.load %arg6[%swap3A, %swap3A_34] : memref<32x256xf32, #tpu.memory_space<vmem>>, vector<32x256xf32>
    tpu.vector_store %arg6[%swap3A, %swap3A_34], %reduce_max3A_33 {strides = array<i32>} : memref<32x256xf32, #tpu.memory_space<vmem>>, vector<32x256xf32>,
    return
  }
  func.func @transform_0(%arg0: i32) -> (i32, i32) {
    %c0_i32 = arith.constant 0 : i32
    %c0_i32_0 = arith.constant 0 : i32
    return %arg0, %c0_i32 : i32, i32
  }
  func.func @transform_1(%arg0: i32) -> (i32, i32) {
    %c0_i32 = arith.constant 0 : i32
    %c0_i32_0 = arith.constant 0 : i32
    %c0_i32_1 = arith.constant 0 : i32
    return %c0_i32, %c0_i32_0 : i32, i32
  }
  func.func @transform_2(%arg0: i32) -> (i32, i32) {
    %c0_i32 = arith.constant 0 : i32
    %c0_i32_0 = arith.constant 0 : i32
    %c0_i32_1 = arith.constant 0 : i32
    return %c0_i32, %c0_i32_0 : i32, i32
  }
  func.func @transform_3(%arg0: i32) -> (i32, i32) {
    %c0_i32 = arith.constant 0 : i32
    %c0_i32_0 = arith.constant 0 : i32
    %c0_i32_1 = arith.constant 0 : i32
    return %c0_i32, %c0_i32_0 : i32, i32
  }
  func.func @transform_4(%arg0: i32) -> (i32, i32) {
    %c0_i32 = arith.constant 0 : i32
    %c0_i32_0 = arith.constant 0 : i32
    %c0_i32_1 = arith.constant 0 : i32
    return %c0_i32, %c0_i32_0 : i32, i32
  }
  func.func @transform_5(%arg0: i32) -> (i32, i32) {
    %c0_i32 = arith.constant 0 : i32
    %c0_i32_0 = arith.constant 0 : i32
    return %arg0, %c0_i32 : i32, i32
  }
}

module attributes {stable_mosaic.version = 14 : i64} {
  func.func @_mm_body(%arg0: i32, %arg1: memref<2048x259xf32, #tpu.memory_space<vmem>>, %arg2: memref<259x256xf32, #tpu.memory_space<vmem>>, %arg3: memref<1x256xf32, #tpu.memory_space<vmem>>, %arg4: memref<2048x256xf32, #tpu.memory_space<vmem>>, %arg5: memref<8x256xf32, #tpu.memory_space<vmem>>) attributes {dimension_semantics = [#tpu.dimension_semantics<arbitrary>], iteration_bounds = array<i64: 1>, scalar_prefetch = 0 : i64, scratch_operands = 0 : i64, tpu.core_type = #tpu.core_type<tc>, window_params = [{transform_indices = @transform_0, window_bounds = array<i64: 2048, 259>}, {pipeline_mode = #tpu.pipeline_mode<synchronous>, transform_indices = @transform_1, window_bounds = array<i64: 259, 256>}, {pipeline_mode = #tpu.pipeline_mode<synchronous>, transform_indices = @transform_2, window_bounds = array<i64: 1, 256>}, {transform_indices = @transform_3, window_bounds = array<i64: 2048, 256>}, {transform_indices = @transform_4, window_bounds = array<i64: 8, 256>}]} {
    %get3A = arith.constant 0 : index
    %get3A_0 = arith.constant 0 : index
    %get3A_1 = vector.load %arg1[%get3A, %get3A_0] : memref<2048x259xf32, #tpu.memory_space<vmem>>, vector<2048x259xf32>
    %get3A_2 = arith.constant 0 : index
    %get3A_3 = arith.constant 0 : index
    %get3A_4 = vector.load %arg2[%get3A_2, %get3A_3] : memref<259x256xf32, #tpu.memory_space<vmem>>, vector<259x256xf32>
    %dot_general3A = arith.constant dense<0.000000e+00> : vector<2048x256xf32>
    %dot_general3A_5 = tpu.matmul %get3A_1, %get3A_4, %dot_general3A {dimension_numbers = #tpu.dot_dimension_numbers<[1], [0], [0], [1], [0, 0, 1, 1], [], []>, transpose_lhs_hint = false} : vector<2048x259xf32>, vector<259x256xf32>, vector<2048x256xf32> -> vector<2048x256xf32>
    %get3A_6 = arith.constant 0 : index
    %get3A_7 = arith.constant 0 : index
    %get3A_8 = vector.load %arg3[%get3A_6, %get3A_7] : memref<1x256xf32, #tpu.memory_space<vmem>>, vector<1x256xf32>
    %add3A = vector.broadcast %get3A_8 : vector<1x256xf32> to vector<2048x256xf32>
    %add3A_9 = arith.addf %dot_general3A_5, %add3A : vector<2048x256xf32>
    %swap3A = arith.constant 0 : index
    %swap3A_10 = arith.constant 0 : index
    %swap3A_11 = vector.load %arg4[%swap3A, %swap3A_10] : memref<2048x256xf32, #tpu.memory_space<vmem>>, vector<2048x256xf32>
    tpu.vector_store %arg4[%swap3A, %swap3A_10], %add3A_9 {strides = array<i32>} : memref<2048x256xf32, #tpu.memory_space<vmem>>, vector<2048x256xf32>,
    %reduce_sum3A = arith.constant dense<0.000000e+00> : vector<256xf32>
    %reduce_sum3A_12 = vector.multi_reduction <add>, %add3A_9, %reduce_sum3A [0] : vector<2048x256xf32> to vector<256xf32>
    %broadcast_in_dim3A = vector.shape_cast %reduce_sum3A_12 : vector<256xf32> to vector<1x256xf32>
    %iota3A = tpu.iota {dimensions = array<i32: 0>} : vector<8x256xi32>
    %eq3A = arith.constant 0 : i32
    %eq3A_13 = vector.broadcast %eq3A : i32 to vector<8x256xi32>
    %eq3A_14 = arith.cmpi eq, %iota3A, %eq3A_13 : vector<8x256xi32>
    %broadcast_in_dim3A_15 = vector.shape_cast %broadcast_in_dim3A : vector<1x256xf32> to vector<1x256xf32>
    %broadcast_in_dim3A_16 = vector.broadcast %broadcast_in_dim3A_15 : vector<1x256xf32> to vector<8x256xf32>
    %jit3A = arith.constant 0.000000e+00 : f32
    %broadcast_in_dim3A_17 = vector.broadcast %jit3A : f32 to vector<8x256xf32>
    %select_n3A = arith.select %eq3A_14, %broadcast_in_dim3A_16, %broadcast_in_dim3A_17 : vector<8x256xi1>, vector<8x256xf32>
    %swap3A_18 = arith.constant 0 : index
    %swap3A_19 = arith.constant 0 : index
    %swap3A_20 = vector.load %arg5[%swap3A_18, %swap3A_19] : memref<8x256xf32, #tpu.memory_space<vmem>>, vector<8x256xf32>
    tpu.vector_store %arg5[%swap3A_18, %swap3A_19], %select_n3A {strides = array<i32>} : memref<8x256xf32, #tpu.memory_space<vmem>>, vector<8x256xf32>,
    return
  }
  func.func @transform_0(%arg0: i32) -> (i32, i32) {
    %c0_i32 = arith.constant 0 : i32
    %c0_i32_0 = arith.constant 0 : i32
    return %arg0, %c0_i32 : i32, i32
  }
  func.func @transform_1(%arg0: i32) -> (i32, i32) {
    %c0_i32 = arith.constant 0 : i32
    %c0_i32_0 = arith.constant 0 : i32
    %c0_i32_1 = arith.constant 0 : i32
    return %c0_i32, %c0_i32_0 : i32, i32
  }
  func.func @transform_2(%arg0: i32) -> (i32, i32) {
    %c0_i32 = arith.constant 0 : i32
    %c0_i32_0 = arith.constant 0 : i32
    %c0_i32_1 = arith.constant 0 : i32
    return %c0_i32, %c0_i32_0 : i32, i32
  }
  func.func @transform_3(%arg0: i32) -> (i32, i32) {
    %c0_i32 = arith.constant 0 : i32
    %c0_i32_0 = arith.constant 0 : i32
    return %arg0, %c0_i32 : i32, i32
  }
  func.func @transform_4(%arg0: i32) -> (i32, i32) {
    %c0_i32 = arith.constant 0 : i32
    %c0_i32_0 = arith.constant 0 : i32
    return %arg0, %c0_i32 : i32, i32
  }
}

module attributes {stable_mosaic.version = 14 : i64} {
  func.func @_ssq_body(%arg0: i32, %arg1: memref<2048x256xf32, #tpu.memory_space<vmem>>, %arg2: memref<8x256xf32, #tpu.memory_space<vmem>>, %arg3: memref<8x256xf32, #tpu.memory_space<vmem>>) attributes {dimension_semantics = [#tpu.dimension_semantics<arbitrary>], iteration_bounds = array<i64: 1>, scalar_prefetch = 0 : i64, scratch_operands = 0 : i64, tpu.core_type = #tpu.core_type<tc>, window_params = [{transform_indices = @transform_0, window_bounds = array<i64: 2048, 256>}, {pipeline_mode = #tpu.pipeline_mode<synchronous>, transform_indices = @transform_1, window_bounds = array<i64: 8, 256>}, {transform_indices = @transform_2, window_bounds = array<i64: 8, 256>}]} {
    %get3A = arith.constant 0 : index
    %get3A_0 = arith.constant 0 : index
    %get3A_1 = vector.load %arg2[%get3A, %get3A_0] : memref<8x256xf32, #tpu.memory_space<vmem>>, vector<8x256xf32>
    %reduce_sum3A = arith.constant dense<0.000000e+00> : vector<256xf32>
    %reduce_sum3A_2 = vector.multi_reduction <add>, %get3A_1, %reduce_sum3A [0] : vector<8x256xf32> to vector<256xf32>
    %broadcast_in_dim3A = vector.shape_cast %reduce_sum3A_2 : vector<256xf32> to vector<1x256xf32>
    %mul3A = arith.constant 4.8828125E-4 : f32
    %mul3A_3 = vector.broadcast %mul3A : f32 to vector<1x256xf32>
    %mul3A_4 = arith.mulf %broadcast_in_dim3A, %mul3A_3 : vector<1x256xf32>
    %get3A_5 = arith.constant 0 : index
    %get3A_6 = arith.constant 0 : index
    %get3A_7 = vector.load %arg1[%get3A_5, %get3A_6] : memref<2048x256xf32, #tpu.memory_space<vmem>>, vector<2048x256xf32>
    %sub3A = vector.broadcast %mul3A_4 : vector<1x256xf32> to vector<2048x256xf32>
    %sub3A_8 = arith.subf %get3A_7, %sub3A : vector<2048x256xf32>
    %mul3A_9 = arith.mulf %sub3A_8, %sub3A_8 : vector<2048x256xf32>
    %reduce_sum3A_10 = arith.constant dense<0.000000e+00> : vector<256xf32>
    %reduce_sum3A_11 = vector.multi_reduction <add>, %mul3A_9, %reduce_sum3A_10 [0] : vector<2048x256xf32> to vector<256xf32>
    %broadcast_in_dim3A_12 = vector.shape_cast %reduce_sum3A_11 : vector<256xf32> to vector<1x256xf32>
    %iota3A = tpu.iota {dimensions = array<i32: 0>} : vector<8x256xi32>
    %eq3A = arith.constant 0 : i32
    %eq3A_13 = vector.broadcast %eq3A : i32 to vector<8x256xi32>
    %eq3A_14 = arith.cmpi eq, %iota3A, %eq3A_13 : vector<8x256xi32>
    %broadcast_in_dim3A_15 = vector.shape_cast %broadcast_in_dim3A_12 : vector<1x256xf32> to vector<1x256xf32>
    %broadcast_in_dim3A_16 = vector.broadcast %broadcast_in_dim3A_15 : vector<1x256xf32> to vector<8x256xf32>
    %jit3A = arith.constant 0.000000e+00 : f32
    %broadcast_in_dim3A_17 = vector.broadcast %jit3A : f32 to vector<8x256xf32>
    %select_n3A = arith.select %eq3A_14, %broadcast_in_dim3A_16, %broadcast_in_dim3A_17 : vector<8x256xi1>, vector<8x256xf32>
    %swap3A = arith.constant 0 : index
    %swap3A_18 = arith.constant 0 : index
    %swap3A_19 = vector.load %arg3[%swap3A, %swap3A_18] : memref<8x256xf32, #tpu.memory_space<vmem>>, vector<8x256xf32>
    tpu.vector_store %arg3[%swap3A, %swap3A_18], %select_n3A {strides = array<i32>} : memref<8x256xf32, #tpu.memory_space<vmem>>, vector<8x256xf32>,
    return
  }
  func.func @transform_0(%arg0: i32) -> (i32, i32) {
    %c0_i32 = arith.constant 0 : i32
    %c0_i32_0 = arith.constant 0 : i32
    return %arg0, %c0_i32 : i32, i32
  }
  func.func @transform_1(%arg0: i32) -> (i32, i32) {
    %c0_i32 = arith.constant 0 : i32
    %c0_i32_0 = arith.constant 0 : i32
    %c0_i32_1 = arith.constant 0 : i32
    return %c0_i32, %c0_i32_0 : i32, i32
  }
  func.func @transform_2(%arg0: i32) -> (i32, i32) {
    %c0_i32 = arith.constant 0 : i32
    %c0_i32_0 = arith.constant 0 : i32
    return %arg0, %c0_i32 : i32, i32
  }
}

module attributes {stable_mosaic.version = 14 : i64} {
  func.func @_bn_mm_body(%arg0: i32, %arg1: memref<2048x256xf32, #tpu.memory_space<vmem>>, %arg2: memref<8x256xf32, #tpu.memory_space<vmem>>, %arg3: memref<8x256xf32, #tpu.memory_space<vmem>>, %arg4: memref<1x256xf32, #tpu.memory_space<vmem>>, %arg5: memref<1x256xf32, #tpu.memory_space<vmem>>, %arg6: memref<256x512xf32, #tpu.memory_space<vmem>>, %arg7: memref<1x512xf32, #tpu.memory_space<vmem>>, %arg8: memref<2048x512xf32, #tpu.memory_space<vmem>>, %arg9: memref<8x512xf32, #tpu.memory_space<vmem>>) attributes {dimension_semantics = [#tpu.dimension_semantics<arbitrary>], iteration_bounds = array<i64: 1>, scalar_prefetch = 0 : i64, scratch_operands = 0 : i64, tpu.core_type = #tpu.core_type<tc>, window_params = [{transform_indices = @transform_0, window_bounds = array<i64: 2048, 256>}, {pipeline_mode = #tpu.pipeline_mode<synchronous>, transform_indices = @transform_1, window_bounds = array<i64: 8, 256>}, {pipeline_mode = #tpu.pipeline_mode<synchronous>, transform_indices = @transform_2, window_bounds = array<i64: 8, 256>}, {pipeline_mode = #tpu.pipeline_mode<synchronous>, transform_indices = @transform_3, window_bounds = array<i64: 1, 256>}, {pipeline_mode = #tpu.pipeline_mode<synchronous>, transform_indices = @transform_4, window_bounds = array<i64: 1, 256>}, {pipeline_mode = #tpu.pipeline_mode<synchronous>, transform_indices = @transform_5, window_bounds = array<i64: 256, 512>}, {pipeline_mode = #tpu.pipeline_mode<synchronous>, transform_indices = @transform_6, window_bounds = array<i64: 1, 512>}, {transform_indices = @transform_7, window_bounds = array<i64: 2048, 512>}, {transform_indices = @transform_8, window_bounds = array<i64: 8, 512>}]} {
    %get3A = arith.constant 0 : index
    %get3A_0 = arith.constant 0 : index
    %get3A_1 = vector.load %arg1[%get3A, %get3A_0] : memref<2048x256xf32, #tpu.memory_space<vmem>>, vector<2048x256xf32>
    %get3A_2 = arith.constant 0 : index
    %get3A_3 = arith.constant 0 : index
    %get3A_4 = vector.load %arg2[%get3A_2, %get3A_3] : memref<8x256xf32, #tpu.memory_space<vmem>>, vector<8x256xf32>
    %reduce_sum3A = arith.constant dense<0.000000e+00> : vector<256xf32>
    %reduce_sum3A_5 = vector.multi_reduction <add>, %get3A_4, %reduce_sum3A [0] : vector<8x256xf32> to vector<256xf32>
    %broadcast_in_dim3A = vector.shape_cast %reduce_sum3A_5 : vector<256xf32> to vector<1x256xf32>
    %mul3A = arith.constant 4.8828125E-4 : f32
    %mul3A_6 = vector.broadcast %mul3A : f32 to vector<1x256xf32>
    %mul3A_7 = arith.mulf %broadcast_in_dim3A, %mul3A_6 : vector<1x256xf32>
    %get3A_8 = arith.constant 0 : index
    %get3A_9 = arith.constant 0 : index
    %get3A_10 = vector.load %arg3[%get3A_8, %get3A_9] : memref<8x256xf32, #tpu.memory_space<vmem>>, vector<8x256xf32>
    %reduce_sum3A_11 = arith.constant dense<0.000000e+00> : vector<256xf32>
    %reduce_sum3A_12 = vector.multi_reduction <add>, %get3A_10, %reduce_sum3A_11 [0] : vector<8x256xf32> to vector<256xf32>
    %broadcast_in_dim3A_13 = vector.shape_cast %reduce_sum3A_12 : vector<256xf32> to vector<1x256xf32>
    %mul3A_14 = arith.constant 4.8828125E-4 : f32
    %mul3A_15 = vector.broadcast %mul3A_14 : f32 to vector<1x256xf32>
    %mul3A_16 = arith.mulf %broadcast_in_dim3A_13, %mul3A_15 : vector<1x256xf32>
    %sub3A = vector.broadcast %mul3A_7 : vector<1x256xf32> to vector<2048x256xf32>
    %sub3A_17 = arith.subf %get3A_1, %sub3A : vector<2048x256xf32>
    %add3A = arith.constant 9.99999974E-6 : f32
    %add3A_18 = vector.broadcast %add3A : f32 to vector<1x256xf32>
    %add3A_19 = arith.addf %mul3A_16, %add3A_18 : vector<1x256xf32>
    %sqrt3A = math.sqrt %add3A_19 : vector<1x256xf32>
    %div3A = vector.broadcast %sqrt3A : vector<1x256xf32> to vector<2048x256xf32>
    %div3A_20 = arith.divf %sub3A_17, %div3A : vector<2048x256xf32>
    %get3A_21 = arith.constant 0 : index
    %get3A_22 = arith.constant 0 : index
    %get3A_23 = vector.load %arg4[%get3A_21, %get3A_22] : memref<1x256xf32, #tpu.memory_space<vmem>>, vector<1x256xf32>
    %mul3A_24 = vector.broadcast %get3A_23 : vector<1x256xf32> to vector<2048x256xf32>
    %mul3A_25 = arith.mulf %div3A_20, %mul3A_24 : vector<2048x256xf32>
    %get3A_26 = arith.constant 0 : index
    %get3A_27 = arith.constant 0 : index
    %get3A_28 = vector.load %arg5[%get3A_26, %get3A_27] : memref<1x256xf32, #tpu.memory_space<vmem>>, vector<1x256xf32>
    %add3A_29 = vector.broadcast %get3A_28 : vector<1x256xf32> to vector<2048x256xf32>
    %add3A_30 = arith.addf %mul3A_25, %add3A_29 : vector<2048x256xf32>
    %max3A = arith.constant 0.000000e+00 : f32
    %max3A_31 = vector.broadcast %max3A : f32 to vector<2048x256xf32>
    %max3A_32 = arith.maximumf %add3A_30, %max3A_31 : vector<2048x256xf32>
    %get3A_33 = arith.constant 0 : index
    %get3A_34 = arith.constant 0 : index
    %get3A_35 = vector.load %arg6[%get3A_33, %get3A_34] : memref<256x512xf32, #tpu.memory_space<vmem>>, vector<256x512xf32>
    %dot_general3A = arith.constant dense<0.000000e+00> : vector<2048x512xf32>
    %dot_general3A_36 = tpu.matmul %max3A_32, %get3A_35, %dot_general3A {dimension_numbers = #tpu.dot_dimension_numbers<[1], [0], [0], [1], [0, 0, 1, 1], [], []>, transpose_lhs_hint = false} : vector<2048x256xf32>, vector<256x512xf32>, vector<2048x512xf32> -> vector<2048x512xf32>
    %get3A_37 = arith.constant 0 : index
    %get3A_38 = arith.constant 0 : index
    %get3A_39 = vector.load %arg7[%get3A_37, %get3A_38] : memref<1x512xf32, #tpu.memory_space<vmem>>, vector<1x512xf32>
    %add3A_40 = vector.broadcast %get3A_39 : vector<1x512xf32> to vector<2048x512xf32>
    %add3A_41 = arith.addf %dot_general3A_36, %add3A_40 : vector<2048x512xf32>
    %swap3A = arith.constant 0 : index
    %swap3A_42 = arith.constant 0 : index
    %swap3A_43 = vector.load %arg8[%swap3A, %swap3A_42] : memref<2048x512xf32, #tpu.memory_space<vmem>>, vector<2048x512xf32>
    tpu.vector_store %arg8[%swap3A, %swap3A_42], %add3A_41 {strides = array<i32>} : memref<2048x512xf32, #tpu.memory_space<vmem>>, vector<2048x512xf32>,
    %reduce_sum3A_44 = arith.constant dense<0.000000e+00> : vector<512xf32>
    %reduce_sum3A_45 = vector.multi_reduction <add>, %add3A_41, %reduce_sum3A_44 [0] : vector<2048x512xf32> to vector<512xf32>
    %broadcast_in_dim3A_46 = vector.shape_cast %reduce_sum3A_45 : vector<512xf32> to vector<1x512xf32>
    %iota3A = tpu.iota {dimensions = array<i32: 0>} : vector<8x512xi32>
    %eq3A = arith.constant 0 : i32
    %eq3A_47 = vector.broadcast %eq3A : i32 to vector<8x512xi32>
    %eq3A_48 = arith.cmpi eq, %iota3A, %eq3A_47 : vector<8x512xi32>
    %broadcast_in_dim3A_49 = vector.shape_cast %broadcast_in_dim3A_46 : vector<1x512xf32> to vector<1x512xf32>
    %broadcast_in_dim3A_50 = vector.broadcast %broadcast_in_dim3A_49 : vector<1x512xf32> to vector<8x512xf32>
    %jit3A = arith.constant 0.000000e+00 : f32
    %broadcast_in_dim3A_51 = vector.broadcast %jit3A : f32 to vector<8x512xf32>
    %select_n3A = arith.select %eq3A_48, %broadcast_in_dim3A_50, %broadcast_in_dim3A_51 : vector<8x512xi1>, vector<8x512xf32>
    %swap3A_52 = arith.constant 0 : index
    %swap3A_53 = arith.constant 0 : index
    %swap3A_54 = vector.load %arg9[%swap3A_52, %swap3A_53] : memref<8x512xf32, #tpu.memory_space<vmem>>, vector<8x512xf32>
    tpu.vector_store %arg9[%swap3A_52, %swap3A_53], %select_n3A {strides = array<i32>} : memref<8x512xf32, #tpu.memory_space<vmem>>, vector<8x512xf32>,
    return
  }
  func.func @transform_0(%arg0: i32) -> (i32, i32) {
    %c0_i32 = arith.constant 0 : i32
    %c0_i32_0 = arith.constant 0 : i32
    return %arg0, %c0_i32 : i32, i32
  }
  func.func @transform_1(%arg0: i32) -> (i32, i32) {
    %c0_i32 = arith.constant 0 : i32
    %c0_i32_0 = arith.constant 0 : i32
    %c0_i32_1 = arith.constant 0 : i32
    return %c0_i32, %c0_i32_0 : i32, i32
  }
  func.func @transform_2(%arg0: i32) -> (i32, i32) {
    %c0_i32 = arith.constant 0 : i32
    %c0_i32_0 = arith.constant 0 : i32
    %c0_i32_1 = arith.constant 0 : i32
    return %c0_i32, %c0_i32_0 : i32, i32
  }
  func.func @transform_3(%arg0: i32) -> (i32, i32) {
    %c0_i32 = arith.constant 0 : i32
    %c0_i32_0 = arith.constant 0 : i32
    %c0_i32_1 = arith.constant 0 : i32
    return %c0_i32, %c0_i32_0 : i32, i32
  }
  func.func @transform_4(%arg0: i32) -> (i32, i32) {
    %c0_i32 = arith.constant 0 : i32
    %c0_i32_0 = arith.constant 0 : i32
    %c0_i32_1 = arith.constant 0 : i32
    return %c0_i32, %c0_i32_0 : i32, i32
  }
  func.func @transform_5(%arg0: i32) -> (i32, i32) {
    %c0_i32 = arith.constant 0 : i32
    %c0_i32_0 = arith.constant 0 : i32
    %c0_i32_1 = arith.constant 0 : i32
    return %c0_i32, %c0_i32_0 : i32, i32
  }
  func.func @transform_6(%arg0: i32) -> (i32, i32) {
    %c0_i32 = arith.constant 0 : i32
    %c0_i32_0 = arith.constant 0 : i32
    %c0_i32_1 = arith.constant 0 : i32
    return %c0_i32, %c0_i32_0 : i32, i32
  }
  func.func @transform_7(%arg0: i32) -> (i32, i32) {
    %c0_i32 = arith.constant 0 : i32
    %c0_i32_0 = arith.constant 0 : i32
    return %arg0, %c0_i32 : i32, i32
  }
  func.func @transform_8(%arg0: i32) -> (i32, i32) {
    %c0_i32 = arith.constant 0 : i32
    %c0_i32_0 = arith.constant 0 : i32
    return %arg0, %c0_i32 : i32, i32
  }
}

module attributes {stable_mosaic.version = 14 : i64} {
  func.func @_ssq_body(%arg0: i32, %arg1: memref<2048x512xf32, #tpu.memory_space<vmem>>, %arg2: memref<8x512xf32, #tpu.memory_space<vmem>>, %arg3: memref<8x512xf32, #tpu.memory_space<vmem>>) attributes {dimension_semantics = [#tpu.dimension_semantics<arbitrary>], iteration_bounds = array<i64: 1>, scalar_prefetch = 0 : i64, scratch_operands = 0 : i64, tpu.core_type = #tpu.core_type<tc>, window_params = [{transform_indices = @transform_0, window_bounds = array<i64: 2048, 512>}, {pipeline_mode = #tpu.pipeline_mode<synchronous>, transform_indices = @transform_1, window_bounds = array<i64: 8, 512>}, {transform_indices = @transform_2, window_bounds = array<i64: 8, 512>}]} {
    %get3A = arith.constant 0 : index
    %get3A_0 = arith.constant 0 : index
    %get3A_1 = vector.load %arg2[%get3A, %get3A_0] : memref<8x512xf32, #tpu.memory_space<vmem>>, vector<8x512xf32>
    %reduce_sum3A = arith.constant dense<0.000000e+00> : vector<512xf32>
    %reduce_sum3A_2 = vector.multi_reduction <add>, %get3A_1, %reduce_sum3A [0] : vector<8x512xf32> to vector<512xf32>
    %broadcast_in_dim3A = vector.shape_cast %reduce_sum3A_2 : vector<512xf32> to vector<1x512xf32>
    %mul3A = arith.constant 4.8828125E-4 : f32
    %mul3A_3 = vector.broadcast %mul3A : f32 to vector<1x512xf32>
    %mul3A_4 = arith.mulf %broadcast_in_dim3A, %mul3A_3 : vector<1x512xf32>
    %get3A_5 = arith.constant 0 : index
    %get3A_6 = arith.constant 0 : index
    %get3A_7 = vector.load %arg1[%get3A_5, %get3A_6] : memref<2048x512xf32, #tpu.memory_space<vmem>>, vector<2048x512xf32>
    %sub3A = vector.broadcast %mul3A_4 : vector<1x512xf32> to vector<2048x512xf32>
    %sub3A_8 = arith.subf %get3A_7, %sub3A : vector<2048x512xf32>
    %mul3A_9 = arith.mulf %sub3A_8, %sub3A_8 : vector<2048x512xf32>
    %reduce_sum3A_10 = arith.constant dense<0.000000e+00> : vector<512xf32>
    %reduce_sum3A_11 = vector.multi_reduction <add>, %mul3A_9, %reduce_sum3A_10 [0] : vector<2048x512xf32> to vector<512xf32>
    %broadcast_in_dim3A_12 = vector.shape_cast %reduce_sum3A_11 : vector<512xf32> to vector<1x512xf32>
    %iota3A = tpu.iota {dimensions = array<i32: 0>} : vector<8x512xi32>
    %eq3A = arith.constant 0 : i32
    %eq3A_13 = vector.broadcast %eq3A : i32 to vector<8x512xi32>
    %eq3A_14 = arith.cmpi eq, %iota3A, %eq3A_13 : vector<8x512xi32>
    %broadcast_in_dim3A_15 = vector.shape_cast %broadcast_in_dim3A_12 : vector<1x512xf32> to vector<1x512xf32>
    %broadcast_in_dim3A_16 = vector.broadcast %broadcast_in_dim3A_15 : vector<1x512xf32> to vector<8x512xf32>
    %jit3A = arith.constant 0.000000e+00 : f32
    %broadcast_in_dim3A_17 = vector.broadcast %jit3A : f32 to vector<8x512xf32>
    %select_n3A = arith.select %eq3A_14, %broadcast_in_dim3A_16, %broadcast_in_dim3A_17 : vector<8x512xi1>, vector<8x512xf32>
    %swap3A = arith.constant 0 : index
    %swap3A_18 = arith.constant 0 : index
    %swap3A_19 = vector.load %arg3[%swap3A, %swap3A_18] : memref<8x512xf32, #tpu.memory_space<vmem>>, vector<8x512xf32>
    tpu.vector_store %arg3[%swap3A, %swap3A_18], %select_n3A {strides = array<i32>} : memref<8x512xf32, #tpu.memory_space<vmem>>, vector<8x512xf32>,
    return
  }
  func.func @transform_0(%arg0: i32) -> (i32, i32) {
    %c0_i32 = arith.constant 0 : i32
    %c0_i32_0 = arith.constant 0 : i32
    return %arg0, %c0_i32 : i32, i32
  }
  func.func @transform_1(%arg0: i32) -> (i32, i32) {
    %c0_i32 = arith.constant 0 : i32
    %c0_i32_0 = arith.constant 0 : i32
    %c0_i32_1 = arith.constant 0 : i32
    return %c0_i32, %c0_i32_0 : i32, i32
  }
  func.func @transform_2(%arg0: i32) -> (i32, i32) {
    %c0_i32 = arith.constant 0 : i32
    %c0_i32_0 = arith.constant 0 : i32
    return %arg0, %c0_i32 : i32, i32
  }
}

module attributes {stable_mosaic.version = 14 : i64} {
  func.func @_bn_mm_body(%arg0: i32, %arg1: memref<2048x512xf32, #tpu.memory_space<vmem>>, %arg2: memref<8x512xf32, #tpu.memory_space<vmem>>, %arg3: memref<8x512xf32, #tpu.memory_space<vmem>>, %arg4: memref<1x512xf32, #tpu.memory_space<vmem>>, %arg5: memref<1x512xf32, #tpu.memory_space<vmem>>, %arg6: memref<512x1024xf32, #tpu.memory_space<vmem>>, %arg7: memref<1x1024xf32, #tpu.memory_space<vmem>>, %arg8: memref<2048x1024xf32, #tpu.memory_space<vmem>>, %arg9: memref<8x1024xf32, #tpu.memory_space<vmem>>) attributes {dimension_semantics = [#tpu.dimension_semantics<arbitrary>], iteration_bounds = array<i64: 1>, scalar_prefetch = 0 : i64, scratch_operands = 0 : i64, tpu.core_type = #tpu.core_type<tc>, window_params = [{transform_indices = @transform_0, window_bounds = array<i64: 2048, 512>}, {pipeline_mode = #tpu.pipeline_mode<synchronous>, transform_indices = @transform_1, window_bounds = array<i64: 8, 512>}, {pipeline_mode = #tpu.pipeline_mode<synchronous>, transform_indices = @transform_2, window_bounds = array<i64: 8, 512>}, {pipeline_mode = #tpu.pipeline_mode<synchronous>, transform_indices = @transform_3, window_bounds = array<i64: 1, 512>}, {pipeline_mode = #tpu.pipeline_mode<synchronous>, transform_indices = @transform_4, window_bounds = array<i64: 1, 512>}, {pipeline_mode = #tpu.pipeline_mode<synchronous>, transform_indices = @transform_5, window_bounds = array<i64: 512, 1024>}, {pipeline_mode = #tpu.pipeline_mode<synchronous>, transform_indices = @transform_6, window_bounds = array<i64: 1, 1024>}, {transform_indices = @transform_7, window_bounds = array<i64: 2048, 1024>}, {transform_indices = @transform_8, window_bounds = array<i64: 8, 1024>}]} {
    %get3A = arith.constant 0 : index
    %get3A_0 = arith.constant 0 : index
    %get3A_1 = vector.load %arg1[%get3A, %get3A_0] : memref<2048x512xf32, #tpu.memory_space<vmem>>, vector<2048x512xf32>
    %get3A_2 = arith.constant 0 : index
    %get3A_3 = arith.constant 0 : index
    %get3A_4 = vector.load %arg2[%get3A_2, %get3A_3] : memref<8x512xf32, #tpu.memory_space<vmem>>, vector<8x512xf32>
    %reduce_sum3A = arith.constant dense<0.000000e+00> : vector<512xf32>
    %reduce_sum3A_5 = vector.multi_reduction <add>, %get3A_4, %reduce_sum3A [0] : vector<8x512xf32> to vector<512xf32>
    %broadcast_in_dim3A = vector.shape_cast %reduce_sum3A_5 : vector<512xf32> to vector<1x512xf32>
    %mul3A = arith.constant 4.8828125E-4 : f32
    %mul3A_6 = vector.broadcast %mul3A : f32 to vector<1x512xf32>
    %mul3A_7 = arith.mulf %broadcast_in_dim3A, %mul3A_6 : vector<1x512xf32>
    %get3A_8 = arith.constant 0 : index
    %get3A_9 = arith.constant 0 : index
    %get3A_10 = vector.load %arg3[%get3A_8, %get3A_9] : memref<8x512xf32, #tpu.memory_space<vmem>>, vector<8x512xf32>
    %reduce_sum3A_11 = arith.constant dense<0.000000e+00> : vector<512xf32>
    %reduce_sum3A_12 = vector.multi_reduction <add>, %get3A_10, %reduce_sum3A_11 [0] : vector<8x512xf32> to vector<512xf32>
    %broadcast_in_dim3A_13 = vector.shape_cast %reduce_sum3A_12 : vector<512xf32> to vector<1x512xf32>
    %mul3A_14 = arith.constant 4.8828125E-4 : f32
    %mul3A_15 = vector.broadcast %mul3A_14 : f32 to vector<1x512xf32>
    %mul3A_16 = arith.mulf %broadcast_in_dim3A_13, %mul3A_15 : vector<1x512xf32>
    %sub3A = vector.broadcast %mul3A_7 : vector<1x512xf32> to vector<2048x512xf32>
    %sub3A_17 = arith.subf %get3A_1, %sub3A : vector<2048x512xf32>
    %add3A = arith.constant 9.99999974E-6 : f32
    %add3A_18 = vector.broadcast %add3A : f32 to vector<1x512xf32>
    %add3A_19 = arith.addf %mul3A_16, %add3A_18 : vector<1x512xf32>
    %sqrt3A = math.sqrt %add3A_19 : vector<1x512xf32>
    %div3A = vector.broadcast %sqrt3A : vector<1x512xf32> to vector<2048x512xf32>
    %div3A_20 = arith.divf %sub3A_17, %div3A : vector<2048x512xf32>
    %get3A_21 = arith.constant 0 : index
    %get3A_22 = arith.constant 0 : index
    %get3A_23 = vector.load %arg4[%get3A_21, %get3A_22] : memref<1x512xf32, #tpu.memory_space<vmem>>, vector<1x512xf32>
    %mul3A_24 = vector.broadcast %get3A_23 : vector<1x512xf32> to vector<2048x512xf32>
    %mul3A_25 = arith.mulf %div3A_20, %mul3A_24 : vector<2048x512xf32>
    %get3A_26 = arith.constant 0 : index
    %get3A_27 = arith.constant 0 : index
    %get3A_28 = vector.load %arg5[%get3A_26, %get3A_27] : memref<1x512xf32, #tpu.memory_space<vmem>>, vector<1x512xf32>
    %add3A_29 = vector.broadcast %get3A_28 : vector<1x512xf32> to vector<2048x512xf32>
    %add3A_30 = arith.addf %mul3A_25, %add3A_29 : vector<2048x512xf32>
    %max3A = arith.constant 0.000000e+00 : f32
    %max3A_31 = vector.broadcast %max3A : f32 to vector<2048x512xf32>
    %max3A_32 = arith.maximumf %add3A_30, %max3A_31 : vector<2048x512xf32>
    %get3A_33 = arith.constant 0 : index
    %get3A_34 = arith.constant 0 : index
    %get3A_35 = vector.load %arg6[%get3A_33, %get3A_34] : memref<512x1024xf32, #tpu.memory_space<vmem>>, vector<512x1024xf32>
    %dot_general3A = arith.constant dense<0.000000e+00> : vector<2048x1024xf32>
    %dot_general3A_36 = tpu.matmul %max3A_32, %get3A_35, %dot_general3A {dimension_numbers = #tpu.dot_dimension_numbers<[1], [0], [0], [1], [0, 0, 1, 1], [], []>, transpose_lhs_hint = false} : vector<2048x512xf32>, vector<512x1024xf32>, vector<2048x1024xf32> -> vector<2048x1024xf32>
    %get3A_37 = arith.constant 0 : index
    %get3A_38 = arith.constant 0 : index
    %get3A_39 = vector.load %arg7[%get3A_37, %get3A_38] : memref<1x1024xf32, #tpu.memory_space<vmem>>, vector<1x1024xf32>
    %add3A_40 = vector.broadcast %get3A_39 : vector<1x1024xf32> to vector<2048x1024xf32>
    %add3A_41 = arith.addf %dot_general3A_36, %add3A_40 : vector<2048x1024xf32>
    %swap3A = arith.constant 0 : index
    %swap3A_42 = arith.constant 0 : index
    %swap3A_43 = vector.load %arg8[%swap3A, %swap3A_42] : memref<2048x1024xf32, #tpu.memory_space<vmem>>, vector<2048x1024xf32>
    tpu.vector_store %arg8[%swap3A, %swap3A_42], %add3A_41 {strides = array<i32>} : memref<2048x1024xf32, #tpu.memory_space<vmem>>, vector<2048x1024xf32>,
    %reduce_sum3A_44 = arith.constant dense<0.000000e+00> : vector<1024xf32>
    %reduce_sum3A_45 = vector.multi_reduction <add>, %add3A_41, %reduce_sum3A_44 [0] : vector<2048x1024xf32> to vector<1024xf32>
    %broadcast_in_dim3A_46 = vector.shape_cast %reduce_sum3A_45 : vector<1024xf32> to vector<1x1024xf32>
    %iota3A = tpu.iota {dimensions = array<i32: 0>} : vector<8x1024xi32>
    %eq3A = arith.constant 0 : i32
    %eq3A_47 = vector.broadcast %eq3A : i32 to vector<8x1024xi32>
    %eq3A_48 = arith.cmpi eq, %iota3A, %eq3A_47 : vector<8x1024xi32>
    %broadcast_in_dim3A_49 = vector.shape_cast %broadcast_in_dim3A_46 : vector<1x1024xf32> to vector<1x1024xf32>
    %broadcast_in_dim3A_50 = vector.broadcast %broadcast_in_dim3A_49 : vector<1x1024xf32> to vector<8x1024xf32>
    %jit3A = arith.constant 0.000000e+00 : f32
    %broadcast_in_dim3A_51 = vector.broadcast %jit3A : f32 to vector<8x1024xf32>
    %select_n3A = arith.select %eq3A_48, %broadcast_in_dim3A_50, %broadcast_in_dim3A_51 : vector<8x1024xi1>, vector<8x1024xf32>
    %swap3A_52 = arith.constant 0 : index
    %swap3A_53 = arith.constant 0 : index
    %swap3A_54 = vector.load %arg9[%swap3A_52, %swap3A_53] : memref<8x1024xf32, #tpu.memory_space<vmem>>, vector<8x1024xf32>
    tpu.vector_store %arg9[%swap3A_52, %swap3A_53], %select_n3A {strides = array<i32>} : memref<8x1024xf32, #tpu.memory_space<vmem>>, vector<8x1024xf32>,
    return
  }
  func.func @transform_0(%arg0: i32) -> (i32, i32) {
    %c0_i32 = arith.constant 0 : i32
    %c0_i32_0 = arith.constant 0 : i32
    return %arg0, %c0_i32 : i32, i32
  }
  func.func @transform_1(%arg0: i32) -> (i32, i32) {
    %c0_i32 = arith.constant 0 : i32
    %c0_i32_0 = arith.constant 0 : i32
    %c0_i32_1 = arith.constant 0 : i32
    return %c0_i32, %c0_i32_0 : i32, i32
  }
  func.func @transform_2(%arg0: i32) -> (i32, i32) {
    %c0_i32 = arith.constant 0 : i32
    %c0_i32_0 = arith.constant 0 : i32
    %c0_i32_1 = arith.constant 0 : i32
    return %c0_i32, %c0_i32_0 : i32, i32
  }
  func.func @transform_3(%arg0: i32) -> (i32, i32) {
    %c0_i32 = arith.constant 0 : i32
    %c0_i32_0 = arith.constant 0 : i32
    %c0_i32_1 = arith.constant 0 : i32
    return %c0_i32, %c0_i32_0 : i32, i32
  }
  func.func @transform_4(%arg0: i32) -> (i32, i32) {
    %c0_i32 = arith.constant 0 : i32
    %c0_i32_0 = arith.constant 0 : i32
    %c0_i32_1 = arith.constant 0 : i32
    return %c0_i32, %c0_i32_0 : i32, i32
  }
  func.func @transform_5(%arg0: i32) -> (i32, i32) {
    %c0_i32 = arith.constant 0 : i32
    %c0_i32_0 = arith.constant 0 : i32
    %c0_i32_1 = arith.constant 0 : i32
    return %c0_i32, %c0_i32_0 : i32, i32
  }
  func.func @transform_6(%arg0: i32) -> (i32, i32) {
    %c0_i32 = arith.constant 0 : i32
    %c0_i32_0 = arith.constant 0 : i32
    %c0_i32_1 = arith.constant 0 : i32
    return %c0_i32, %c0_i32_0 : i32, i32
  }
  func.func @transform_7(%arg0: i32) -> (i32, i32) {
    %c0_i32 = arith.constant 0 : i32
    %c0_i32_0 = arith.constant 0 : i32
    return %arg0, %c0_i32 : i32, i32
  }
  func.func @transform_8(%arg0: i32) -> (i32, i32) {
    %c0_i32 = arith.constant 0 : i32
    %c0_i32_0 = arith.constant 0 : i32
    return %arg0, %c0_i32 : i32, i32
  }
}

module attributes {stable_mosaic.version = 14 : i64} {
  func.func @_ssq_body(%arg0: i32, %arg1: memref<2048x1024xf32, #tpu.memory_space<vmem>>, %arg2: memref<8x1024xf32, #tpu.memory_space<vmem>>, %arg3: memref<8x1024xf32, #tpu.memory_space<vmem>>) attributes {dimension_semantics = [#tpu.dimension_semantics<arbitrary>], iteration_bounds = array<i64: 1>, scalar_prefetch = 0 : i64, scratch_operands = 0 : i64, tpu.core_type = #tpu.core_type<tc>, window_params = [{transform_indices = @transform_0, window_bounds = array<i64: 2048, 1024>}, {pipeline_mode = #tpu.pipeline_mode<synchronous>, transform_indices = @transform_1, window_bounds = array<i64: 8, 1024>}, {transform_indices = @transform_2, window_bounds = array<i64: 8, 1024>}]} {
    %get3A = arith.constant 0 : index
    %get3A_0 = arith.constant 0 : index
    %get3A_1 = vector.load %arg2[%get3A, %get3A_0] : memref<8x1024xf32, #tpu.memory_space<vmem>>, vector<8x1024xf32>
    %reduce_sum3A = arith.constant dense<0.000000e+00> : vector<1024xf32>
    %reduce_sum3A_2 = vector.multi_reduction <add>, %get3A_1, %reduce_sum3A [0] : vector<8x1024xf32> to vector<1024xf32>
    %broadcast_in_dim3A = vector.shape_cast %reduce_sum3A_2 : vector<1024xf32> to vector<1x1024xf32>
    %mul3A = arith.constant 4.8828125E-4 : f32
    %mul3A_3 = vector.broadcast %mul3A : f32 to vector<1x1024xf32>
    %mul3A_4 = arith.mulf %broadcast_in_dim3A, %mul3A_3 : vector<1x1024xf32>
    %get3A_5 = arith.constant 0 : index
    %get3A_6 = arith.constant 0 : index
    %get3A_7 = vector.load %arg1[%get3A_5, %get3A_6] : memref<2048x1024xf32, #tpu.memory_space<vmem>>, vector<2048x1024xf32>
    %sub3A = vector.broadcast %mul3A_4 : vector<1x1024xf32> to vector<2048x1024xf32>
    %sub3A_8 = arith.subf %get3A_7, %sub3A : vector<2048x1024xf32>
    %mul3A_9 = arith.mulf %sub3A_8, %sub3A_8 : vector<2048x1024xf32>
    %reduce_sum3A_10 = arith.constant dense<0.000000e+00> : vector<1024xf32>
    %reduce_sum3A_11 = vector.multi_reduction <add>, %mul3A_9, %reduce_sum3A_10 [0] : vector<2048x1024xf32> to vector<1024xf32>
    %broadcast_in_dim3A_12 = vector.shape_cast %reduce_sum3A_11 : vector<1024xf32> to vector<1x1024xf32>
    %iota3A = tpu.iota {dimensions = array<i32: 0>} : vector<8x1024xi32>
    %eq3A = arith.constant 0 : i32
    %eq3A_13 = vector.broadcast %eq3A : i32 to vector<8x1024xi32>
    %eq3A_14 = arith.cmpi eq, %iota3A, %eq3A_13 : vector<8x1024xi32>
    %broadcast_in_dim3A_15 = vector.shape_cast %broadcast_in_dim3A_12 : vector<1x1024xf32> to vector<1x1024xf32>
    %broadcast_in_dim3A_16 = vector.broadcast %broadcast_in_dim3A_15 : vector<1x1024xf32> to vector<8x1024xf32>
    %jit3A = arith.constant 0.000000e+00 : f32
    %broadcast_in_dim3A_17 = vector.broadcast %jit3A : f32 to vector<8x1024xf32>
    %select_n3A = arith.select %eq3A_14, %broadcast_in_dim3A_16, %broadcast_in_dim3A_17 : vector<8x1024xi1>, vector<8x1024xf32>
    %swap3A = arith.constant 0 : index
    %swap3A_18 = arith.constant 0 : index
    %swap3A_19 = vector.load %arg3[%swap3A, %swap3A_18] : memref<8x1024xf32, #tpu.memory_space<vmem>>, vector<8x1024xf32>
    tpu.vector_store %arg3[%swap3A, %swap3A_18], %select_n3A {strides = array<i32>} : memref<8x1024xf32, #tpu.memory_space<vmem>>, vector<8x1024xf32>,
    return
  }
  func.func @transform_0(%arg0: i32) -> (i32, i32) {
    %c0_i32 = arith.constant 0 : i32
    %c0_i32_0 = arith.constant 0 : i32
    return %arg0, %c0_i32 : i32, i32
  }
  func.func @transform_1(%arg0: i32) -> (i32, i32) {
    %c0_i32 = arith.constant 0 : i32
    %c0_i32_0 = arith.constant 0 : i32
    %c0_i32_1 = arith.constant 0 : i32
    return %c0_i32, %c0_i32_0 : i32, i32
  }
  func.func @transform_2(%arg0: i32) -> (i32, i32) {
    %c0_i32 = arith.constant 0 : i32
    %c0_i32_0 = arith.constant 0 : i32
    return %arg0, %c0_i32 : i32, i32
  }
}

module attributes {stable_mosaic.version = 14 : i64} {
  func.func @_bn_pool_body(%arg0: i32, %arg1: memref<2048x1024xf32, #tpu.memory_space<vmem>>, %arg2: memref<8x1024xf32, #tpu.memory_space<vmem>>, %arg3: memref<8x1024xf32, #tpu.memory_space<vmem>>, %arg4: memref<1x1024xf32, #tpu.memory_space<vmem>>, %arg5: memref<1x1024xf32, #tpu.memory_space<vmem>>, %arg6: memref<16x1024xf32, #tpu.memory_space<vmem>>) attributes {dimension_semantics = [#tpu.dimension_semantics<arbitrary>], iteration_bounds = array<i64: 1>, scalar_prefetch = 0 : i64, scratch_operands = 0 : i64, tpu.core_type = #tpu.core_type<tc>, window_params = [{transform_indices = @transform_0, window_bounds = array<i64: 2048, 1024>}, {pipeline_mode = #tpu.pipeline_mode<synchronous>, transform_indices = @transform_1, window_bounds = array<i64: 8, 1024>}, {pipeline_mode = #tpu.pipeline_mode<synchronous>, transform_indices = @transform_2, window_bounds = array<i64: 8, 1024>}, {pipeline_mode = #tpu.pipeline_mode<synchronous>, transform_indices = @transform_3, window_bounds = array<i64: 1, 1024>}, {pipeline_mode = #tpu.pipeline_mode<synchronous>, transform_indices = @transform_4, window_bounds = array<i64: 1, 1024>}, {transform_indices = @transform_5, window_bounds = array<i64: 16, 1024>}]} {
    %get3A = arith.constant 0 : index
    %get3A_0 = arith.constant 0 : index
    %get3A_1 = vector.load %arg1[%get3A, %get3A_0] : memref<2048x1024xf32, #tpu.memory_space<vmem>>, vector<2048x1024xf32>
    %get3A_2 = arith.constant 0 : index
    %get3A_3 = arith.constant 0 : index
    %get3A_4 = vector.load %arg2[%get3A_2, %get3A_3] : memref<8x1024xf32, #tpu.memory_space<vmem>>, vector<8x1024xf32>
    %reduce_sum3A = arith.constant dense<0.000000e+00> : vector<1024xf32>
    %reduce_sum3A_5 = vector.multi_reduction <add>, %get3A_4, %reduce_sum3A [0] : vector<8x1024xf32> to vector<1024xf32>
    %broadcast_in_dim3A = vector.shape_cast %reduce_sum3A_5 : vector<1024xf32> to vector<1x1024xf32>
    %mul3A = arith.constant 4.8828125E-4 : f32
    %mul3A_6 = vector.broadcast %mul3A : f32 to vector<1x1024xf32>
    %mul3A_7 = arith.mulf %broadcast_in_dim3A, %mul3A_6 : vector<1x1024xf32>
    %get3A_8 = arith.constant 0 : index
    %get3A_9 = arith.constant 0 : index
    %get3A_10 = vector.load %arg3[%get3A_8, %get3A_9] : memref<8x1024xf32, #tpu.memory_space<vmem>>, vector<8x1024xf32>
    %reduce_sum3A_11 = arith.constant dense<0.000000e+00> : vector<1024xf32>
    %reduce_sum3A_12 = vector.multi_reduction <add>, %get3A_10, %reduce_sum3A_11 [0] : vector<8x1024xf32> to vector<1024xf32>
    %broadcast_in_dim3A_13 = vector.shape_cast %reduce_sum3A_12 : vector<1024xf32> to vector<1x1024xf32>
    %mul3A_14 = arith.constant 4.8828125E-4 : f32
    %mul3A_15 = vector.broadcast %mul3A_14 : f32 to vector<1x1024xf32>
    %mul3A_16 = arith.mulf %broadcast_in_dim3A_13, %mul3A_15 : vector<1x1024xf32>
    %sub3A = vector.broadcast %mul3A_7 : vector<1x1024xf32> to vector<2048x1024xf32>
    %sub3A_17 = arith.subf %get3A_1, %sub3A : vector<2048x1024xf32>
    %add3A = arith.constant 9.99999974E-6 : f32
    %add3A_18 = vector.broadcast %add3A : f32 to vector<1x1024xf32>
    %add3A_19 = arith.addf %mul3A_16, %add3A_18 : vector<1x1024xf32>
    %sqrt3A = math.sqrt %add3A_19 : vector<1x1024xf32>
    %div3A = vector.broadcast %sqrt3A : vector<1x1024xf32> to vector<2048x1024xf32>
    %div3A_20 = arith.divf %sub3A_17, %div3A : vector<2048x1024xf32>
    %get3A_21 = arith.constant 0 : index
    %get3A_22 = arith.constant 0 : index
    %get3A_23 = vector.load %arg4[%get3A_21, %get3A_22] : memref<1x1024xf32, #tpu.memory_space<vmem>>, vector<1x1024xf32>
    %mul3A_24 = vector.broadcast %get3A_23 : vector<1x1024xf32> to vector<2048x1024xf32>
    %mul3A_25 = arith.mulf %div3A_20, %mul3A_24 : vector<2048x1024xf32>
    %get3A_26 = arith.constant 0 : index
    %get3A_27 = arith.constant 0 : index
    %get3A_28 = vector.load %arg5[%get3A_26, %get3A_27] : memref<1x1024xf32, #tpu.memory_space<vmem>>, vector<1x1024xf32>
    %add3A_29 = vector.broadcast %get3A_28 : vector<1x1024xf32> to vector<2048x1024xf32>
    %add3A_30 = arith.addf %mul3A_25, %add3A_29 : vector<2048x1024xf32>
    %max3A = arith.constant 0.000000e+00 : f32
    %max3A_31 = vector.broadcast %max3A : f32 to vector<2048x1024xf32>
    %max3A_32 = arith.maximumf %add3A_30, %max3A_31 : vector<2048x1024xf32>
    %reshape3A = vector.shape_cast %max3A_32 : vector<2048x1024xf32> to vector<16x128x1024xf32>
    %reduce_max3A = arith.constant dense<0xFF800000> : vector<16x1024xf32>
    %reduce_max3A_33 = vector.multi_reduction <maximumf>, %reshape3A, %reduce_max3A [1] : vector<16x128x1024xf32> to vector<16x1024xf32>
    %swap3A = arith.constant 0 : index
    %swap3A_34 = arith.constant 0 : index
    %swap3A_35 = vector.load %arg6[%swap3A, %swap3A_34] : memref<16x1024xf32, #tpu.memory_space<vmem>>, vector<16x1024xf32>
    tpu.vector_store %arg6[%swap3A, %swap3A_34], %reduce_max3A_33 {strides = array<i32>} : memref<16x1024xf32, #tpu.memory_space<vmem>>, vector<16x1024xf32>,
    return
  }
  func.func @transform_0(%arg0: i32) -> (i32, i32) {
    %c0_i32 = arith.constant 0 : i32
    %c0_i32_0 = arith.constant 0 : i32
    return %arg0, %c0_i32 : i32, i32
  }
  func.func @transform_1(%arg0: i32) -> (i32, i32) {
    %c0_i32 = arith.constant 0 : i32
    %c0_i32_0 = arith.constant 0 : i32
    %c0_i32_1 = arith.constant 0 : i32
    return %c0_i32, %c0_i32_0 : i32, i32
  }
  func.func @transform_2(%arg0: i32) -> (i32, i32) {
    %c0_i32 = arith.constant 0 : i32
    %c0_i32_0 = arith.constant 0 : i32
    %c0_i32_1 = arith.constant 0 : i32
    return %c0_i32, %c0_i32_0 : i32, i32
  }
  func.func @transform_3(%arg0: i32) -> (i32, i32) {
    %c0_i32 = arith.constant 0 : i32
    %c0_i32_0 = arith.constant 0 : i32
    %c0_i32_1 = arith.constant 0 : i32
    return %c0_i32, %c0_i32_0 : i32, i32
  }
  func.func @transform_4(%arg0: i32) -> (i32, i32) {
    %c0_i32 = arith.constant 0 : i32
    %c0_i32_0 = arith.constant 0 : i32
    %c0_i32_1 = arith.constant 0 : i32
    return %c0_i32, %c0_i32_0 : i32, i32
  }
  func.func @transform_5(%arg0: i32) -> (i32, i32) {
    %c0_i32 = arith.constant 0 : i32
    %c0_i32_0 = arith.constant 0 : i32
    return %arg0, %c0_i32 : i32, i32
  }
}

</mosaic_0001>

<sc_bundles>
// kernel: sparse-core-data-format-call.cloned.1.call-start
scs
called_computation_lowered:
.L_overlay_start_0:
0x0: {  	s1 =	sld [smem:$0x3FD9]  }
0x1: {  	s2 =	sld [smem:$0x3FFE];
	_ =	sdelay $0x1  }
0x2: {  	s3 =	srdreg.scid  }
0x3: {  	s0 =	sand.u32 $0x1, s3  }
0x4: {  	s17 =	sshll.u32 s0, $0xA;
	s1 =	sadd.s32 s2, s1  }
0x5: {  	s1 =	sadd.s32 s1, s17  }
0x6: {  	[smem:$0x3FA3] =	sst s1  }
0x7: {  	_ = 	snop  }
0x8: {  	(tm) =	ssettm $0x1  }
0x9: {  	s18 =	sld [smem:$0x3FFB];
	_ =	sdelay $0x3  }
0xa: {  	_ =	strace s18  }
0xb: {  	s1 =	sld [smem:$0x3FFC];
	_ =	sdelay $0x3  }
0xc: {  	_ =	strace s1  }
0xd: {  	s1 =	sld [smem:$0x3FFD];
	_ =	sdelay $0x3  }
0xe: {  	_ =	strace s1  }
0xf: {  	_ =	strace $0x8FFFFFFF  }
0x10: {  	s19 =	sld [smem:$0x3FDB];
	_ =	sdelay $0x1  }
0x11: {  	s20 =	simm.s32 $_scs_section_size  }
0x12: {  	s4 =	simm.s32 $_size__tile_overlayer_lowered;
	s5 =	simm.s32 $_tile_overlayer_lowered  }
0x13: {  	s23 =	simm.s32 $0x1BFF;
	s22 =	sshll.u32 s5, $0x1;
	s1 =	sadd.s32 s20, s19  }
0x14: {  	s6 =	simm.s32 $0x0;
	s21 =	sshll.u32 s4, $0x1;
	s4 =	sadd.s32 s22, s1  }
0x15: {  	[timem:s6], [sflag:s23] =	dma.local [hbm:s4], s21  }
0x16: {  	_ =	swait.ge [sflag:s23], s21  }
0x17: {  	s2 =	ssub.s32 $0x0, s21;
	[sflag:s23] =	ssyncset.done $0x0  }
0x18: {  	[sflag:s23] =	ssyncadd.s32 s2;
	_ =	sdelay $0x1  }
0x19: {  	s24 =	simm.s32 $0x1B8B  }
0x1a: {  	_ =	swait.ge [sflag:s24], $0x1  }
0x1b: {  	[sflag:s24] =	ssyncset.done $0x0  }
0x1c: {  	s26 =	simm.s32 $0x1B8E;
	s25 =	sld [smem:$0x3FFE];
	[sflag:s24] =	ssyncadd.s32 $0xFFFFFFFF  }
0x1d: {  	s27 =	simm.s32 $execute0_lowered;
	[smem:$0x3FD2] =	sst s26  }
0x1e: {  	s4 =	sshll.u32 s27, $0x1;
	_ =	strace $0x80000046;
	[dreg:$0x1] =	wrdreg $0xFFFFFFFF  }
0x1f: {  	s28 =	simm.s32 $_size_execute0_lowered;
	s1 =	sadd.s32 s1, s4;
	[dreg:$0x0] =	wrdreg $0x0  }
0x20: {  	s4 =	sshll.u32 s28, $0x1;
	[dreg:$0x2] =	wrdreg s1  }
0x21: {  	[dreg:$0x3] =	wrdreg s4  }
0x22: {  	[dreg:$0x4] =	wrdreg $0xC0  }
0x23: {  	_ =	task [dreg:s6], $0x5FFFF  }
0x24: {  	[dreg:$0x1] =	wrdreg $0xFFFFFFFF  }
0x25: {  	[dreg:$0x0] =	wrdreg $0x60  }
0x26: {  	[dreg:$0x2] =	wrdreg s25  }
0x27: {  	[dreg:$0x3] =	wrdreg $0x9  }
0x28: {  	_ =	task.clear_ibuf [dreg:s6], $0x4FFFF;
	_ =	strace $0x90000046  }
0x29: {  	s29 =	simm.s32 $0x9;
	_ =	strace $0x80000048  }
0x2a: {  	_ =	swait.ge [sflag:s29], $0x1  }
0x2b: {  	[sflag:s29] =	ssyncadd.s32 $0xFFFFFFFF  }
0x2c: {  	_ =	strace $0x90000048  }
0x2d: {  	_ =	sfence  }
0x2e: {  	s30 =	sld [smem:$0x0];
	_ =	sdelay $0x2  }
0x2f: {  	s31 =	sshll.u32 s3, $0xD;
	s3 =	sshrl.u32 s3, $0x2  }
0x30: {  	s2 =	sand.u32 $0x4000, s31;
	s1 =	sadd.s32 s3, s30  }
0x31: {  	s0 =	sor.u32 s2, s0;
	s1 =	sshll.u32 s1, $0x11  }
0x32: {  	s0 =	sor.u32 s1, s0  }
0x33: {  	s0 =	sadd.s32 $0x8F2B, s0  }
0x34: {  	[sflag:s0] =	ssyncadd.remote.s32 $0x1  }
0x35: {  	_ =	sfence.sel $0xFFFF  }
0x36: {  	[dreg:$0x0] =	wrdreg $0xFFFFFFFF;
	(pc) =	sbr.abs _section_cstart, $3  }
0x37: {  	[dreg:$0x1] =	wrdreg $0xFFFFFFFF  }
0x38: {  	_ =	task.clear_ibuf [dreg:s6], $0x2FFFF;
	_ =	strace $0x9FFFFFFF  }
0x39: {  	(tm) =	ssettm $0x7FFFFFFF  }
tec
execute0_lowered:
.L_overlay_start_1:
0x0: {  	(tag) =	ssettag $0x1  }
0x1: {  	s0 =	srdreg.scid;
	s3 =	rddreg [dreg:$0x0];
	s5 =	simm.s32 $0x1  }
0x2: {  	s7 =	simm.s32 $0x2;
	s15 =	simm.s32 $0x0;
	p0 =	por $0x0, $0x0  }
0x3: {  	s8 =	simm.s32 $0x1000;
	s13 =	simm.s32 $0x0;
	s1 =	sshll.u32 s0, $0x7  }
0x4: {  	s14 =	simm.s32 $0x0;
	s9 =	simm.s32 $0x0;
	s1 =	sand.u32 $0x80, s1  }
0x5: {  	s0 =	rddreg [dreg:$0x1];
	_ =	strace $0x80000047;
	s6 =	ssub.s32 $0x200, s1  }
.Ltmp0:
0x6: {  	s2 =	sadd.s32 $0x34200, s3;
	s31 =	sshrl.u32 s6, $0x7;
	(pc) =	sbr.rel .LBB1_1-.Ltmp0, $4  }
0x7: {  	s4 =	sadd.s32 $0x434200, s3;
	s6 =	sshrl.u32 s6, $0x8;
	s3 =	sand.u32 $0x1, s31  }
0x8: {  	s11 =	stileid.u32;
	[sflag:s5] =	ssyncpa.u1 $0x0;
	s6 =	sadd.s32 s6, s3  }
0x9: {  	s12 =	simm.s32 $0x0;
	[sflag:s7] =	ssyncpa.u1 $0x0;
	s6 =	sshll.u32 s6, $0x5  }
0xa: {  	s10 =	smov.u32 s1;
	s3 =	stileid.u32;
	s7 =	sor.u32 $0x1, s6  }
.LBB1_4:
0xb: {  	v5 =	vld [tilespmem:s18+$0xFFFFFFD0]  }
0xc: {  	[tilespmem:s19+$0x2040 ss:$0x81] =	vst.msk $0xffff, v1;
	v58 =	vld [tilespmem:s18+$0xFFFFFFE0]  }
0xd: {  	[tilespmem:s19+$0x2850 ss:$0x81] =	vst.msk $0xffff, v2;
	v59 =	vld [tilespmem:s18+$0xFFFFFFF0]  }
0xe: {  	s20 =	sshra.s32 s20, $0x2;
	[tilespmem:s19+$0x3060 ss:$0x81] =	vst.msk $0xffff, v3;
	v60 =	vld [tilespmem:s18+$0x0]  }
0xf: {  	[tilespmem:s19+$0x0 ss:$0x81] =	vst.msk $0xffff, v0;
	v61 =	vld [tilespmem:s18+$0x10];
	s17 =	sadd.s32 s20, s17  }
0x10: {  	s25 =	sshll.u32 s15, $0x9;
	v62 =	vld [tilespmem:s18+$0x20];
	[tilespmem:s17+$0x3870 ss:$0x81] =	vst.msk $0xffff, v4  }
0x11: {  	s26 =	sshll.u32 s13, $0x3;
	s27 =	sshll.u32 s15, $0x7;
	v63 =	vld [tilespmem:s18+$0xFFFFFFC0];
	s30 =	sand.u32 $0x78, s13;
	[tilespmem:s17+$0x810 ss:$0x81] =	vst.msk $0xffff, v5  }
0x12: {  	s14 =	sshll.u32 s14, $0x12;
	s19 =	sand.u32 $0x1FF000, s25;
	s20 =	sand.u32 $0x1FFC00, s26;
	[tilespmem:s17+$0x1020 ss:$0x81] =	vst.msk $0xffff, v58  }
0x13: {  	s29 =	sand.u32 $0x200, s27;
	s15 =	sand.u32 $0x180, s27;
	s28 =	sadd.s32 s20, s19;
	[tilespmem:s17+$0x1830 ss:$0x81] =	vst.msk $0xffff, v59  }
0x14: {  	s31 =	sand.u32 $0x7, s13;
	s15 =	sor.u32 s30, s15;
	s18 =	sor.u32 s29, s28;
	[tilespmem:s17+$0x2040 ss:$0x81] =	vst.msk $0xffff, v60  }
0x15: {  	s14 =	sadd.s32 s4, s14;
	s15 =	sshrl.u32 s15, $0x3;
	s18 =	sshrl.u32 s18, $0x3;
	[tilespmem:s17+$0x2850 ss:$0x81] =	vst.msk $0xffff, v61  }
0x16: {  	s13 =	sshll.u32 s31, $0x12;
	s14 =	sadd.s32 s15, s14;
	[tilespmem:s17+$0x3060 ss:$0x81] =	vst.msk $0xffff, v62;
	s18 =	sand.u32 $0x3FFC0, s18  }
0x17: {  	s13 =	sor.u32 $0x400, s13;
	[tilespmem:s17+$0x0 ss:$0x81] =	vst.msk $0xffff, v63;
	s14 =	sadd.s32 s18, s14  }
0x18: {  	[hbm4b:s14+s13] =	stream.strided.scatter [tilespmem:s16], [sflag:$0x2], $0x4000, s8, s13, $0x20;
	[tilespmem:$0x10100] =	vst v63  }
.LBB1_5:
0x19: {  	s16 =	sadd.s32 $0x80, s9  }
0x1a: {  	s13 =	sadd.s32 $0x100, s10;
	s17 =	smov.u32 s10;
	p2 =	sgt.s32 s16, $0xFFF  }
0x1b: {  	s17 =	smov.u32 @p2 s13  }
0x1c: {  	s19 =	smov.u32 s11;
	s13 =	sadd.s32 $0x10, s11;
	p3 =	sgt.s32 s17, $0x1FF  }
0x1d: {  	s19 =	smov.u32 @p3 s13  }
0x1e: {  	s16 =	simm.s32 @p2 $0x0;
	p2 =	sgt.s32 s19, $0xF  }
0x1f: {  	p1 =	slt.u32 s12, $0x2;
	s19 =	smov.u32 @p2 s3;
	p2 =	sne.s32 s12, s7  }
.Ltmp1:
0x20: {  	s18 =	simm.s32 @!p1 $0x2;
	(pc) =	sbr.rel @!p2 .LBB1_6-.Ltmp1, $4  }
0x21: {  	s15 =	smov.u32 s9;
	s14 =	smov.u32 s11;
	_ =	swait.ge @!p1 [sflag:s18], $0x4000  }
0x22: {  	p0 =	por !p0, !p0;
	[sflag:s18] =	ssyncset.done @!p1 $0x0;
	s9 =	smov.u32 s16  }
0x23: {  	s17 =	smov.u32 @p3 s1;
	s13 =	smov.u32 s10;
	[sflag:s18] =	ssyncadd.s32 @!p1 $0xFFFFC000  }
0x24: {  	s10 =	smov.u32 s17;
	s12 =	sadd.s32 $0x1, s12;
	s11 =	smov.u32 s19  }
.LBB1_1:
0x25: {  	p1 =	sge.u32 s12, s6;
	s31 =	sadd.s32 $0xFFFFFFFF, s12  }
0x26: {  	s16 =	sxor.u32 @!p1 $0xFFFFFFFF, s12;
	s17 =	sand.u32 @!p1 $0x78, s9;
	s18 =	sshll.u32 @!p1 s10, $0xC  }
0x27: {  	s19 =	sshll.u32 @!p1 s10, $0x7;
	s20 =	sshll.u32 @!p1 s9, $0x3;
	s16 =	sshll.u32 @!p1 s16, $0xE  }
0x28: {  	s18 =	sand.u32 @!p1 $0x1F8000, s18;
	s19 =	sand.u32 @!p1 $0x380, s19;
	s16 =	sand.u32 @!p1 $0x4000, s16  }
0x29: {  	s18 =	sadd.s32 @!p1 s18, s20;
	s20 =	sand.u32 @!p1 $0xC00, s20;
	s17 =	sor.u32 @!p1 s19, s17  }
0x2a: {  	s19 =	sshll.u32 @!p1 s11, $0x12;
	s17 =	sor.u32 @!p1 s20, s17;
	s18 =	sshrl.u32 @!p1 s18, $0x3  }
0x2b: {  	s19 =	sadd.s32 @!p1 s2, s19;
	s20 =	sand.u32 @!p1 $0x7, s9;
	s18 =	sand.u32 @!p1 $0x3FE00, s18  }
0x2c: {  	s17 =	sshrl.u32 @!p1 s17, $0x3;
	s18 =	sadd.s32 @!p1 s18, s19;
	s19 =	sshll.u32 @!p1 s20, $0x12  }
0x2d: {  	s17 =	sadd.s32 @!p1 s17, s18;
	s18 =	sor.u32 @!p1 $0x400, s19;
	s19 =	simm.s32 @!p1 $0x8000  }
0x2e: {  	[tilespmem:s16], [sflag:$0x1] =	stream.strided.gather @!p1 [hbm4b:s17+s18], $0x4000, s19, s18, $0x38;
	[tilespmem:$0x10100] =	vst v63  }
0x2f: {  	p1 =	sge.u32 s31, s6  }
.Ltmp2:
0x30: {  	_ = 	snop;
	(pc) =	sbr.rel @p1 .LBB1_5-.Ltmp2, $1  }
0x31: {  	_ =	sdelay $0x3  }
0x32: {  	s16 =	simm.s32 $0x1  }
0x33: {  	_ =	swait.ge [sflag:s5], $0x4000;
	s16 =	simm.s32 @!p0 $0x0  }
0x34: {  	[sflag:s5] =	ssyncset.done $0x0;
	s17 =	sshll.u32 s16, $0xE  }
0x35: {  	[sflag:s5] =	ssyncadd.s32 $0xFFFFC000;
	s18 =	sor.u32 $0x40, s17  }
0x36: {  	s16 =	smul.u32 $0x10200, s16;
	v0 =	vld [tilespmem:s18+$0x30]  }
0x37: {  	v3 =	vld [tilespmem:s18+$0xFFFFFFD0]  }
0x38: {  	s16 =	sshrl.u32 s16, $0x2;
	v4 =	vld [tilespmem:s18+$0xFFFFFFE0]  }
0x39: {  	v5 =	vld [tilespmem:s18+$0xFFFFFFF0];
	s17 =	sor.u32 $0x8000, s16  }
0x3a: {  	s31 =	sand.u32 $0x1, s12;
	v1 =	vld [tilespmem:s18+$0x0];
	s19 =	sadd.s32 $0x0, s17  }
0x3b: {  	v2 =	vld [tilespmem:s18+$0x10];
	s16 =	smul.u32 $0x10200, s31;
	[tilespmem:s19+$0x3870 ss:$0x81] =	vst.msk $0xffff, v0  }
0x3c: {  	[tilespmem:s19+$0x810 ss:$0x81] =	vst.msk $0xffff, v3;
	v3 =	vld [tilespmem:s18+$0x20]  }
0x3d: {  	s16 =	sshrl.u32 s16, $0x2;
	v0 =	vld [tilespmem:s18+$0xFFFFFFC0];
	[tilespmem:s19+$0x1020 ss:$0x81] =	vst.msk $0xffff, v4;
	s18 =	sadd.s32 $0x80, s18  }
0x3e: {  	s20 =	simm.s32 $0x4;
	s21 =	simm.s32 $0x8;
	s16 =	sor.u32 $0x8000, s16;
	[tilespmem:s19+$0x1830 ss:$0x81] =	vst.msk $0xffff, v5;
	v4 =	vld [tilespmem:s18+$0x30]  }
.LBB1_3:
0x3f: {  	p1 =	sne.s32 s21, $0x1FC;
	v5 =	vld [tilespmem:s18+$0xFFFFFFD0];
	[tilespmem:s19+$0x2040 ss:$0x81] =	vst.msk $0xffff, v1  }
0x40: {  	v6 =	vld [tilespmem:s18+$0xFFFFFFE0];
	[tilespmem:s19+$0x2850 ss:$0x81] =	vst.msk $0xffff, v2  }
0x41: {  	s22 =	sshra.s32 s20, $0x2;
	s20 =	smov.u32 s21;
	v7 =	vld [tilespmem:s18+$0xFFFFFFF0];
	[tilespmem:s19+$0x3060 ss:$0x81] =	vst.msk $0xffff, v3  }
.Ltmp3:
0x42: {  	v1 =	vld [tilespmem:s18+$0x0];
	[tilespmem:s19+$0x0 ss:$0x81] =	vst.msk $0xffff, v0;
	s19 =	sadd.s32 s22, s17;
	(pc) =	sbr.rel @p1 .LBB1_3-.Ltmp3, $4  }
0x43: {  	v2 =	vld [tilespmem:s18+$0x10];
	[tilespmem:s19+$0x3870 ss:$0x81] =	vst.msk $0xffff, v4  }
0x44: {  	[tilespmem:s19+$0x810 ss:$0x81] =	vst.msk $0xffff, v5;
	v3 =	vld [tilespmem:s18+$0x20]  }
0x45: {  	v0 =	vld [tilespmem:s18+$0xFFFFFFC0];
	[tilespmem:s19+$0x1020 ss:$0x81] =	vst.msk $0xffff, v6;
	s18 =	sadd.s32 $0x80, s18  }
0x46: {  	s21 =	sadd.s32 $0x4, s21;
	v4 =	vld [tilespmem:s18+$0x30];
	[tilespmem:s19+$0x1830 ss:$0x81] =	vst.msk $0xffff, v7  }
.Ltmp4:
0x47: {  	_ = 	snop;
	(pc) =	sbr.rel .LBB1_4-.Ltmp4, $1  }
0x48: {  	_ =	sdelay $0x3  }
.LBB1_6:
0x49: {  	_ =	sfence.sel $0x180000  }
0x4a: {  	s1 =	simm.s32 $0x1;
	[bflag:$0x0] =	sbarrier.arrive $0xFFFF  }
0x4b: {  	s31 =	simm.s32 $0x2;
	[sflag:s1] =	ssyncpa.u1 $0x1  }
0x4c: {  	[sflag:s31] =	ssyncpa.u1 $0x1  }
0x4d: {  	p0 =	sne.s32 s3, $0x0;
	_ =	strace $0x90000047  }
0x4e: {  	s0 =	sadd.s32 @!p0 $0x100000, s0;
	[bflag:$0x2] =	sbarrier.arrive $0xFFFF  }
0x4f: {  	[sflag:s0] =	ssyncadd.tile.s32 @!p0 $0x1;
	_ =	shalt  }
.Lfunc_end1:
_tile_overlayer_lowered:
.L_overlay_start_2:
0x50: {  	(tag) =	ssettag $0x2  }
0x51: {  	s0 =	rddreg [dreg:$0x0];
	s2 =	stileid.u32  }
0x52: {  	s1 =	rddreg [dreg:$0x1];
	p0 =	sne.s32 s2, $0x0  }
0x53: {  	s3 =	rddreg [dreg:$0x2];
	[bflag:$0x3] =	sbarrier.arrive $0xFFFF;
	s2 =	simm.s32 @!p0 $0x1C01  }
0x54: {  	[timem:s3], [sflag:s2] =	dma.local @!p0 [hbm:s0], s1  }
0x55: {  	s0 =	simm.s32 @!p0 $0x1  }
0x56: {  	_ =	swait.ge @!p0 [sflag:s0], s1  }
0x57: {  	s1 =	ssub.s32 @!p0 $0x0, s1;
	[sflag:s0] =	ssyncset.done @!p0 $0x0  }
0x58: {  	[sflag:s0] =	ssyncadd.s32 @!p0 s1  }
0x59: {  	[bflag:$0x3] =	sbarrier.arrive $0xFFFF  }
0x5a: {  	_ =	shalt  }

</sc_bundles>
